<compile_context>
chip_gen: v7x
topology: tpu7x:2x2x1
jax: 0.10.2.dev20260603
libtpu: 0.0.44.dev20260713+nightly
codegen_flags: <defaults>
</compile_context>

<pallas_src>
import functools

import jax
import jax.numpy as jnp
from jax import lax
from jax.experimental import pallas as pl
from jax.experimental.pallas import tpu as pltpu
from jax.experimental.pallas import tpu_sc as plsc

NSEG = 4
EXTENT = 32
F = NSEG * EXTENT

NC = 2
NS = 16
NW = NC * NS

CH = 128
LANES = 16


def _sc_call(n_nodes, n_pad, e):
    ew = e // NW
    assert e % NW == 0 and ew % 8 == 0
    nch = ew // CH
    tail = ew - nch * CH
    assert tail % LANES == 0
    rows_per_tile = n_pad // NS
    nz = rows_per_tile // CH

    mesh = plsc.VectorSubcoreMesh(core_axis_name="c", subcore_axis_name="s")

    @functools.partial(
        pl.kernel,
        out_type=jax.ShapeDtypeStruct((NC, n_pad, F), jnp.float32),
        mesh=mesh,
        scratch_types=[
            pltpu.MemorySpace.VMEM_SHARED((n_pad, F), jnp.float32),
            pltpu.MemorySpace.VMEM((CH,), jnp.int32),
            pltpu.MemorySpace.VMEM((CH,), jnp.int32),
            pltpu.MemorySpace.VMEM((max(tail, 1),), jnp.int32),
            pltpu.MemorySpace.VMEM((CH * NSEG,), jnp.float32),
            pltpu.MemorySpace.VMEM((CH, F), jnp.float32),
            pltpu.SemaphoreType.DMA,
        ],
    )
    def k(x_hbm, s_hbm, d_hbm, w_hbm, out_hbm,
          acc, sidx_v, didx_v, didx_t, wq_v, rows_v, sem):
        cid = lax.axis_index("c")
        sid = lax.axis_index("s")
        wid = cid * NS + sid

        def zero_row(r, carry):
            for h in range(F // LANES):
                rows_v[r, pl.ds(h * LANES, LANES)] = jnp.zeros(
                    (LANES,), jnp.float32)
            return carry
        lax.fori_loop(0, CH, zero_row, 0)
        for i in range(nz):
            pltpu.sync_copy(rows_v,
                            acc.at[pl.ds(sid * rows_per_tile + i * CH, CH)])
        plsc.subcore_barrier()

        def do_edges(ebase, n, d_ref):
            s_ref = sidx_v.at[pl.ds(0, n)] if n != CH else sidx_v
            pltpu.sync_copy(s_hbm.at[pl.ds(ebase, n)], s_ref)
            pltpu.sync_copy(d_hbm.at[pl.ds(ebase, n)], d_ref)
            pltpu.sync_copy(w_hbm.at[pl.ds(ebase * NSEG, n * NSEG)],
                            wq_v.at[pl.ds(0, n * NSEG)])
            pltpu.async_copy(
                x_hbm.at[s_ref], rows_v.at[pl.ds(0, n)], sem).wait()

            def mul(g, carry2):
                wvec = wq_v[pl.ds(g * LANES, LANES)]
                for q in range(4):
                    for s in range(NSEG):
                        ws = wvec[q * NSEG + s]
                        for h in range(EXTENT // LANES):
                            off = s * EXTENT + h * LANES
                            rows_v[g * 4 + q, pl.ds(off, LANES)] = (
                                rows_v[g * 4 + q, pl.ds(off, LANES)] * ws)
                return carry2
            lax.fori_loop(0, n // 4, mul, 0)

            pltpu.sync_copy(rows_v.at[pl.ds(0, n)], acc.at[d_ref], add=True)

        def chunk(c, carry):
            do_edges(wid * ew + c * CH, CH, didx_v)
            return carry
        lax.fori_loop(0, nch, chunk, 0)
        if tail:
            do_edges(wid * ew + nch * CH, tail, didx_t)

        plsc.subcore_barrier()

        for i in range(nz):
            base = sid * rows_per_tile + i * CH
            pltpu.sync_copy(acc.at[pl.ds(base, CH)],
                            out_hbm.at[cid, pl.ds(base, CH)])

    return k


def kernel(x, w, src_idx, dst_idx):
    n_nodes, f = x.shape
    e = w.shape[0]
    ngrain = NS * CH
    n_pad = ((n_nodes + ngrain - 1) // ngrain) * ngrain

    partials = _sc_call(n_nodes, n_pad, e)(x, src_idx, dst_idx,
                                           w.reshape(-1))
    return partials[0, :n_nodes] + partials[1, :n_nodes]

# --- scband reference (transcript-rebuilt; emitter-appended) ---
"""Pipeline reference for scband-segmented-polynomial-from-uniform1d-jit-1151051235364 (READ-ONLY COPY).

The authoritative reference and input builder live on the scoring server;
editing this copy changes nothing except your own understanding.
"""

import jax, jax.numpy as jnp
import numpy as np

# Concrete segmented polynomial configuration (channelwise tensor product,
# MACE/NequIP-style): operand 0 = node features [N, 4 segments x extent 32],
# operand 1 = per-edge scalar weights [E, 4 segments of ndim 0],
# operand 2 (output) = node features [N, 4 segments x extent 32].
# STP subscripts 'u,,u' with 4 diagonal paths (i, i, i), coefficient 1.0.
# input 0 is gathered by src_idx (BATCH_DIM_INDEXED input), output 0 is
# scatter-added by dst_idx (BATCH_DIM_INDEXED output) with output_shapes[0]
# giving N_NODES rows.

EXTENT = 32
NSEG = 4
N_NODES = 10000
N_EDGES = 320000
PATHS = [(i, i, i) for i in range(NSEG)]
COEFFS = [1.0] * NSEG


def setup_inputs(seed: int = 0) -> dict:
    key = jax.random.key(seed)
    k1, k2, k3, k4 = jax.random.split(key, 4)
    x = jax.random.normal(k1, (N_NODES, NSEG * EXTENT), dtype=jnp.float32)
    w = jax.random.normal(k2, (N_EDGES, NSEG), dtype=jnp.float32)
    src_idx = jax.random.randint(k3, (N_EDGES,), 0, N_NODES, dtype=jnp.int32)
    dst_idx = jax.random.randint(k4, (N_EDGES,), 0, N_NODES, dtype=jnp.int32)
    return {"x": x, "w": w, "src_idx": src_idx, "dst_idx": dst_idx}


def reference(x, w, src_idx, dst_idx):
    # Gather input operand 0 by its input index (BATCH_DIM_INDEXED input).
    xg = jnp.take(x, src_idx, axis=0).reshape(-1, NSEG, EXTENT)
    # Evaluate the segmented tensor product paths in math_dtype float32.
    out_e = jnp.zeros((xg.shape[0], NSEG, EXTENT), dtype=jnp.float32)
    for (i, j, k), c in zip(PATHS, COEFFS):
        out_e = out_e.at[:, k, :].add(c * xg[:, i, :] * w[:, j][:, None])
    # Scatter-add output operand by its output index (BATCH_DIM_INDEXED output,
    # output_shapes[0].size(0) == N_NODES).
    out = jnp.zeros((N_NODES, NSEG, EXTENT), dtype=jnp.float32)
    out = out.at[dst_idx].add(out_e)
    return out.reshape(N_NODES, NSEG * EXTENT)

if __name__ == "__main__":
    import jax
    _d = setup_inputs()
    print(jax.jit(kernel)(*tuple(_d.values())))

</pallas_src>

<mosaic_0001>
#map = affine_map<(d0, d1) -> (0, 0)>
#map1 = affine_map<(d0, d1) -> (0)>
#map2 = affine_map<(d0, d1) -> (0, 0, 0)>
module attributes {stable_mosaic.version = 14 : i64} {
  func.func @k(%arg0: i32, %arg1: i32, %arg2: memref<10000x128xf32, #tpu.memory_space<hbm>>, %arg3: memref<320000xi32, #tpu.memory_space<hbm>>, %arg4: memref<320000xi32, #tpu.memory_space<hbm>>, %arg5: memref<1280000xf32, #tpu.memory_space<hbm>>, %arg6: memref<2x10240x128xf32, #tpu.memory_space<hbm>>, %arg7: memref<10240x128xf32, #tpu.memory_space<vmem_shared>>, %arg8: memref<128xi32, #tpu.memory_space<vmem>>, %arg9: memref<128xi32, #tpu.memory_space<vmem>>, %arg10: memref<16xi32, #tpu.memory_space<vmem>>, %arg11: memref<512xf32, #tpu.memory_space<vmem>>, %arg12: memref<128x128xf32, #tpu.memory_space<vmem>>, %arg13: memref<!tpu.dma_semaphore, #tpu.memory_space<semaphore_mem>>) attributes {dimension_semantics = [#tpu.dimension_semantics<core_parallel>, #tpu.dimension_semantics<subcore_parallel>], iteration_bounds = array<i64: 2, 16>, scalar_prefetch = 0 : i64, scratch_operands = 7 : i64, tpu.core_type = #tpu.core_type<sc_vector_subcore>, window_params = [{transform_indices = #map}, {transform_indices = #map1}, {transform_indices = #map1}, {transform_indices = #map1}, {transform_indices = #map2}]} {
    %mul3A = arith.constant 16 : i32
    %mul3A_0 = arith.muli %arg0, %mul3A : i32
    %add3A = arith.addi %mul3A_0, %arg1 : i32
    %scan3A = arith.constant 0 : i32
    %scan3A_1 = arith.constant 0 : i32
    %scan3A_2 = arith.constant 128 : i32
    %scan3A_3 = arith.addi %scan3A_1, %scan3A_2 : i32
    %scan3A_4 = arith.constant 1 : i32
    scf.for %scan3A_79 = %scan3A_1 to %scan3A_3 step %scan3A_4  : i32 {
      %broadcast_in_dim3A = arith.constant 0.000000e+00 : f32
      %broadcast_in_dim3A_80 = vector.broadcast %broadcast_in_dim3A : f32 to vector<16xf32>
      %swap3A = arith.index_cast %scan3A_79 : i32 to index
      %swap3A_81 = arith.constant 0 : index
      %swap3A_82 = tpu.vector_load %arg12[%swap3A, %swap3A_81] {strides = array<i32>} : memref<128x128xf32, #tpu.memory_space<vmem>>, vector<1x16xf32>,
      %swap3A_83 = vector.shape_cast %swap3A_82 : vector<1x16xf32> to vector<16xf32>
      %swap3A_84 = vector.shape_cast %broadcast_in_dim3A_80 : vector<16xf32> to vector<1x16xf32>
      tpu.vector_store %arg12[%swap3A, %swap3A_81], %swap3A_84 {strides = array<i32>} : memref<128x128xf32, #tpu.memory_space<vmem>>, vector<1x16xf32>,
      %broadcast_in_dim3A_85 = arith.constant 0.000000e+00 : f32
      %broadcast_in_dim3A_86 = vector.broadcast %broadcast_in_dim3A_85 : f32 to vector<16xf32>
      %swap3A_87 = arith.index_cast %scan3A_79 : i32 to index
      %swap3A_88 = arith.constant 16 : index
      %swap3A_89 = tpu.vector_load %arg12[%swap3A_87, %swap3A_88] {strides = array<i32>} : memref<128x128xf32, #tpu.memory_space<vmem>>, vector<1x16xf32>,
      %swap3A_90 = vector.shape_cast %swap3A_89 : vector<1x16xf32> to vector<16xf32>
      %swap3A_91 = vector.shape_cast %broadcast_in_dim3A_86 : vector<16xf32> to vector<1x16xf32>
      tpu.vector_store %arg12[%swap3A_87, %swap3A_88], %swap3A_91 {strides = array<i32>} : memref<128x128xf32, #tpu.memory_space<vmem>>, vector<1x16xf32>,
      %broadcast_in_dim3A_92 = arith.constant 0.000000e+00 : f32
      %broadcast_in_dim3A_93 = vector.broadcast %broadcast_in_dim3A_92 : f32 to vector<16xf32>
      %swap3A_94 = arith.index_cast %scan3A_79 : i32 to index
      %swap3A_95 = arith.constant 32 : index
      %swap3A_96 = tpu.vector_load %arg12[%swap3A_94, %swap3A_95] {strides = array<i32>} : memref<128x128xf32, #tpu.memory_space<vmem>>, vector<1x16xf32>,
      %swap3A_97 = vector.shape_cast %swap3A_96 : vector<1x16xf32> to vector<16xf32>
      %swap3A_98 = vector.shape_cast %broadcast_in_dim3A_93 : vector<16xf32> to vector<1x16xf32>
      tpu.vector_store %arg12[%swap3A_94, %swap3A_95], %swap3A_98 {strides = array<i32>} : memref<128x128xf32, #tpu.memory_space<vmem>>, vector<1x16xf32>,
      %broadcast_in_dim3A_99 = arith.constant 0.000000e+00 : f32
      %broadcast_in_dim3A_100 = vector.broadcast %broadcast_in_dim3A_99 : f32 to vector<16xf32>
      %swap3A_101 = arith.index_cast %scan3A_79 : i32 to index
      %swap3A_102 = arith.constant 48 : index
      %swap3A_103 = tpu.vector_load %arg12[%swap3A_101, %swap3A_102] {strides = array<i32>} : memref<128x128xf32, #tpu.memory_space<vmem>>, vector<1x16xf32>,
      %swap3A_104 = vector.shape_cast %swap3A_103 : vector<1x16xf32> to vector<16xf32>
      %swap3A_105 = vector.shape_cast %broadcast_in_dim3A_100 : vector<16xf32> to vector<1x16xf32>
      tpu.vector_store %arg12[%swap3A_101, %swap3A_102], %swap3A_105 {strides = array<i32>} : memref<128x128xf32, #tpu.memory_space<vmem>>, vector<1x16xf32>,
      %broadcast_in_dim3A_106 = arith.constant 0.000000e+00 : f32
      %broadcast_in_dim3A_107 = vector.broadcast %broadcast_in_dim3A_106 : f32 to vector<16xf32>
      %swap3A_108 = arith.index_cast %scan3A_79 : i32 to index
      %swap3A_109 = arith.constant 64 : index
      %swap3A_110 = tpu.vector_load %arg12[%swap3A_108, %swap3A_109] {strides = array<i32>} : memref<128x128xf32, #tpu.memory_space<vmem>>, vector<1x16xf32>,
      %swap3A_111 = vector.shape_cast %swap3A_110 : vector<1x16xf32> to vector<16xf32>
      %swap3A_112 = vector.shape_cast %broadcast_in_dim3A_107 : vector<16xf32> to vector<1x16xf32>
      tpu.vector_store %arg12[%swap3A_108, %swap3A_109], %swap3A_112 {strides = array<i32>} : memref<128x128xf32, #tpu.memory_space<vmem>>, vector<1x16xf32>,
      %broadcast_in_dim3A_113 = arith.constant 0.000000e+00 : f32
      %broadcast_in_dim3A_114 = vector.broadcast %broadcast_in_dim3A_113 : f32 to vector<16xf32>
      %swap3A_115 = arith.index_cast %scan3A_79 : i32 to index
      %swap3A_116 = arith.constant 80 : index
      %swap3A_117 = tpu.vector_load %arg12[%swap3A_115, %swap3A_116] {strides = array<i32>} : memref<128x128xf32, #tpu.memory_space<vmem>>, vector<1x16xf32>,
      %swap3A_118 = vector.shape_cast %swap3A_117 : vector<1x16xf32> to vector<16xf32>
      %swap3A_119 = vector.shape_cast %broadcast_in_dim3A_114 : vector<16xf32> to vector<1x16xf32>
      tpu.vector_store %arg12[%swap3A_115, %swap3A_116], %swap3A_119 {strides = array<i32>} : memref<128x128xf32, #tpu.memory_space<vmem>>, vector<1x16xf32>,
      %broadcast_in_dim3A_120 = arith.constant 0.000000e+00 : f32
      %broadcast_in_dim3A_121 = vector.broadcast %broadcast_in_dim3A_120 : f32 to vector<16xf32>
      %swap3A_122 = arith.index_cast %scan3A_79 : i32 to index
      %swap3A_123 = arith.constant 96 : index
      %swap3A_124 = tpu.vector_load %arg12[%swap3A_122, %swap3A_123] {strides = array<i32>} : memref<128x128xf32, #tpu.memory_space<vmem>>, vector<1x16xf32>,
      %swap3A_125 = vector.shape_cast %swap3A_124 : vector<1x16xf32> to vector<16xf32>
      %swap3A_126 = vector.shape_cast %broadcast_in_dim3A_121 : vector<16xf32> to vector<1x16xf32>
      tpu.vector_store %arg12[%swap3A_122, %swap3A_123], %swap3A_126 {strides = array<i32>} : memref<128x128xf32, #tpu.memory_space<vmem>>, vector<1x16xf32>,
      %broadcast_in_dim3A_127 = arith.constant 0.000000e+00 : f32
      %broadcast_in_dim3A_128 = vector.broadcast %broadcast_in_dim3A_127 : f32 to vector<16xf32>
      %swap3A_129 = arith.index_cast %scan3A_79 : i32 to index
      %swap3A_130 = arith.constant 112 : index
      %swap3A_131 = tpu.vector_load %arg12[%swap3A_129, %swap3A_130] {strides = array<i32>} : memref<128x128xf32, #tpu.memory_space<vmem>>, vector<1x16xf32>,
      %swap3A_132 = vector.shape_cast %swap3A_131 : vector<1x16xf32> to vector<16xf32>
      %swap3A_133 = vector.shape_cast %broadcast_in_dim3A_128 : vector<16xf32> to vector<1x16xf32>
      tpu.vector_store %arg12[%swap3A_129, %swap3A_130], %swap3A_133 {strides = array<i32>} : memref<128x128xf32, #tpu.memory_space<vmem>>, vector<1x16xf32>,
    }
    %scan3A_5 = arith.constant 128 : i32
    %mul3A_6 = arith.constant 640 : i32
    %mul3A_7 = arith.muli %arg1, %mul3A_6 : i32
    %add3A_8 = arith.constant 0 : i32
    %add3A_9 = arith.addi %mul3A_7, %add3A_8 : i32
    "tpu.region"() ({
      %run_scoped3A = tpu.sem_alloc : memref<!tpu.dma_semaphore, #tpu.memory_space<semaphore_mem>>
      %dma_start3A_79 = arith.constant 0 : i32
      %dma_start3A_80 = tpu.memref_slice %arg7[%add3A_9, %dma_start3A_79] : memref<10240x128xf32, #tpu.memory_space<vmem_shared>> -> memref<128x128xf32, #tpu.memory_space<vmem_shared>>
      %dma_start3A_81 = arith.constant 0 : i32
      %dma_start3A_82 = tpu.memref_slice %arg7[%add3A_9, %dma_start3A_81] : memref<10240x128xf32, #tpu.memory_space<vmem_shared>> -> memref<128x128xf32, #tpu.memory_space<vmem_shared>>
      tpu.enqueue_dma source(%arg12 : memref<128x128xf32, #tpu.memory_space<vmem>>) target(%dma_start3A_82 : memref<128x128xf32, #tpu.memory_space<vmem_shared>>) target_semaphore(%run_scoped3A : memref<!tpu.dma_semaphore, #tpu.memory_space<semaphore_mem>>)
      %dma_wait3A_83 = arith.constant 0 : i32
      %dma_wait3A_84 = tpu.memref_slice %arg7[%add3A_9, %dma_wait3A_83] : memref<10240x128xf32, #tpu.memory_space<vmem_shared>> -> memref<128x128xf32, #tpu.memory_space<vmem_shared>>
      %dma_wait3A_85 = arith.constant 0 : i32
      %dma_wait3A_86 = tpu.memref_slice %arg7[%add3A_9, %dma_wait3A_85] : memref<10240x128xf32, #tpu.memory_space<vmem_shared>> -> memref<128x128xf32, #tpu.memory_space<vmem_shared>>
      tpu.wait_dma2 semaphore(%run_scoped3A : memref<!tpu.dma_semaphore, #tpu.memory_space<semaphore_mem>>) src(%arg12 : memref<128x128xf32, #tpu.memory_space<vmem>>) dst(%dma_wait3A_86 : memref<128x128xf32, #tpu.memory_space<vmem_shared>>)
      tpu.yield
    }) : () -> ()
    %mul3A_10 = arith.constant 640 : i32
    %mul3A_11 = arith.muli %arg1, %mul3A_10 : i32
    %add3A_12 = arith.constant 128 : i32
    %add3A_13 = arith.addi %mul3A_11, %add3A_12 : i32
    "tpu.region"() ({
      %run_scoped3A = tpu.sem_alloc : memref<!tpu.dma_semaphore, #tpu.memory_space<semaphore_mem>>
      %dma_start3A_79 = arith.constant 0 : i32
      %dma_start3A_80 = tpu.memref_slice %arg7[%add3A_13, %dma_start3A_79] : memref<10240x128xf32, #tpu.memory_space<vmem_shared>> -> memref<128x128xf32, #tpu.memory_space<vmem_shared>>
      %dma_start3A_81 = arith.constant 0 : i32
      %dma_start3A_82 = tpu.memref_slice %arg7[%add3A_13, %dma_start3A_81] : memref<10240x128xf32, #tpu.memory_space<vmem_shared>> -> memref<128x128xf32, #tpu.memory_space<vmem_shared>>
      tpu.enqueue_dma source(%arg12 : memref<128x128xf32, #tpu.memory_space<vmem>>) target(%dma_start3A_82 : memref<128x128xf32, #tpu.memory_space<vmem_shared>>) target_semaphore(%run_scoped3A : memref<!tpu.dma_semaphore, #tpu.memory_space<semaphore_mem>>)
      %dma_wait3A_83 = arith.constant 0 : i32
      %dma_wait3A_84 = tpu.memref_slice %arg7[%add3A_13, %dma_wait3A_83] : memref<10240x128xf32, #tpu.memory_space<vmem_shared>> -> memref<128x128xf32, #tpu.memory_space<vmem_shared>>
      %dma_wait3A_85 = arith.constant 0 : i32
      %dma_wait3A_86 = tpu.memref_slice %arg7[%add3A_13, %dma_wait3A_85] : memref<10240x128xf32, #tpu.memory_space<vmem_shared>> -> memref<128x128xf32, #tpu.memory_space<vmem_shared>>
      tpu.wait_dma2 semaphore(%run_scoped3A : memref<!tpu.dma_semaphore, #tpu.memory_space<semaphore_mem>>) src(%arg12 : memref<128x128xf32, #tpu.memory_space<vmem>>) dst(%dma_wait3A_86 : memref<128x128xf32, #tpu.memory_space<vmem_shared>>)
      tpu.yield
    }) : () -> ()
    %mul3A_14 = arith.constant 640 : i32
    %mul3A_15 = arith.muli %arg1, %mul3A_14 : i32
    %add3A_16 = arith.constant 256 : i32
    %add3A_17 = arith.addi %mul3A_15, %add3A_16 : i32
    "tpu.region"() ({
      %run_scoped3A = tpu.sem_alloc : memref<!tpu.dma_semaphore, #tpu.memory_space<semaphore_mem>>
      %dma_start3A_79 = arith.constant 0 : i32
      %dma_start3A_80 = tpu.memref_slice %arg7[%add3A_17, %dma_start3A_79] : memref<10240x128xf32, #tpu.memory_space<vmem_shared>> -> memref<128x128xf32, #tpu.memory_space<vmem_shared>>
      %dma_start3A_81 = arith.constant 0 : i32
      %dma_start3A_82 = tpu.memref_slice %arg7[%add3A_17, %dma_start3A_81] : memref<10240x128xf32, #tpu.memory_space<vmem_shared>> -> memref<128x128xf32, #tpu.memory_space<vmem_shared>>
      tpu.enqueue_dma source(%arg12 : memref<128x128xf32, #tpu.memory_space<vmem>>) target(%dma_start3A_82 : memref<128x128xf32, #tpu.memory_space<vmem_shared>>) target_semaphore(%run_scoped3A : memref<!tpu.dma_semaphore, #tpu.memory_space<semaphore_mem>>)
      %dma_wait3A_83 = arith.constant 0 : i32
      %dma_wait3A_84 = tpu.memref_slice %arg7[%add3A_17, %dma_wait3A_83] : memref<10240x128xf32, #tpu.memory_space<vmem_shared>> -> memref<128x128xf32, #tpu.memory_space<vmem_shared>>
      %dma_wait3A_85 = arith.constant 0 : i32
      %dma_wait3A_86 = tpu.memref_slice %arg7[%add3A_17, %dma_wait3A_85] : memref<10240x128xf32, #tpu.memory_space<vmem_shared>> -> memref<128x128xf32, #tpu.memory_space<vmem_shared>>
      tpu.wait_dma2 semaphore(%run_scoped3A : memref<!tpu.dma_semaphore, #tpu.memory_space<semaphore_mem>>) src(%arg12 : memref<128x128xf32, #tpu.memory_space<vmem>>) dst(%dma_wait3A_86 : memref<128x128xf32, #tpu.memory_space<vmem_shared>>)
      tpu.yield
    }) : () -> ()
    %mul3A_18 = arith.constant 640 : i32
    %mul3A_19 = arith.muli %arg1, %mul3A_18 : i32
    %add3A_20 = arith.constant 384 : i32
    %add3A_21 = arith.addi %mul3A_19, %add3A_20 : i32
    "tpu.region"() ({
      %run_scoped3A = tpu.sem_alloc : memref<!tpu.dma_semaphore, #tpu.memory_space<semaphore_mem>>
      %dma_start3A_79 = arith.constant 0 : i32
      %dma_start3A_80 = tpu.memref_slice %arg7[%add3A_21, %dma_start3A_79] : memref<10240x128xf32, #tpu.memory_space<vmem_shared>> -> memref<128x128xf32, #tpu.memory_space<vmem_shared>>
      %dma_start3A_81 = arith.constant 0 : i32
      %dma_start3A_82 = tpu.memref_slice %arg7[%add3A_21, %dma_start3A_81] : memref<10240x128xf32, #tpu.memory_space<vmem_shared>> -> memref<128x128xf32, #tpu.memory_space<vmem_shared>>
      tpu.enqueue_dma source(%arg12 : memref<128x128xf32, #tpu.memory_space<vmem>>) target(%dma_start3A_82 : memref<128x128xf32, #tpu.memory_space<vmem_shared>>) target_semaphore(%run_scoped3A : memref<!tpu.dma_semaphore, #tpu.memory_space<semaphore_mem>>)
      %dma_wait3A_83 = arith.constant 0 : i32
      %dma_wait3A_84 = tpu.memref_slice %arg7[%add3A_21, %dma_wait3A_83] : memref<10240x128xf32, #tpu.memory_space<vmem_shared>> -> memref<128x128xf32, #tpu.memory_space<vmem_shared>>
      %dma_wait3A_85 = arith.constant 0 : i32
      %dma_wait3A_86 = tpu.memref_slice %arg7[%add3A_21, %dma_wait3A_85] : memref<10240x128xf32, #tpu.memory_space<vmem_shared>> -> memref<128x128xf32, #tpu.memory_space<vmem_shared>>
      tpu.wait_dma2 semaphore(%run_scoped3A : memref<!tpu.dma_semaphore, #tpu.memory_space<semaphore_mem>>) src(%arg12 : memref<128x128xf32, #tpu.memory_space<vmem>>) dst(%dma_wait3A_86 : memref<128x128xf32, #tpu.memory_space<vmem_shared>>)
      tpu.yield
    }) : () -> ()
    %mul3A_22 = arith.constant 640 : i32
    %mul3A_23 = arith.muli %arg1, %mul3A_22 : i32
    %add3A_24 = arith.constant 512 : i32
    %add3A_25 = arith.addi %mul3A_23, %add3A_24 : i32
    "tpu.region"() ({
      %run_scoped3A = tpu.sem_alloc : memref<!tpu.dma_semaphore, #tpu.memory_space<semaphore_mem>>
      %dma_start3A_79 = arith.constant 0 : i32
      %dma_start3A_80 = tpu.memref_slice %arg7[%add3A_25, %dma_start3A_79] : memref<10240x128xf32, #tpu.memory_space<vmem_shared>> -> memref<128x128xf32, #tpu.memory_space<vmem_shared>>
      %dma_start3A_81 = arith.constant 0 : i32
      %dma_start3A_82 = tpu.memref_slice %arg7[%add3A_25, %dma_start3A_81] : memref<10240x128xf32, #tpu.memory_space<vmem_shared>> -> memref<128x128xf32, #tpu.memory_space<vmem_shared>>
      tpu.enqueue_dma source(%arg12 : memref<128x128xf32, #tpu.memory_space<vmem>>) target(%dma_start3A_82 : memref<128x128xf32, #tpu.memory_space<vmem_shared>>) target_semaphore(%run_scoped3A : memref<!tpu.dma_semaphore, #tpu.memory_space<semaphore_mem>>)
      %dma_wait3A_83 = arith.constant 0 : i32
      %dma_wait3A_84 = tpu.memref_slice %arg7[%add3A_25, %dma_wait3A_83] : memref<10240x128xf32, #tpu.memory_space<vmem_shared>> -> memref<128x128xf32, #tpu.memory_space<vmem_shared>>
      %dma_wait3A_85 = arith.constant 0 : i32
      %dma_wait3A_86 = tpu.memref_slice %arg7[%add3A_25, %dma_wait3A_85] : memref<10240x128xf32, #tpu.memory_space<vmem_shared>> -> memref<128x128xf32, #tpu.memory_space<vmem_shared>>
      tpu.wait_dma2 semaphore(%run_scoped3A : memref<!tpu.dma_semaphore, #tpu.memory_space<semaphore_mem>>) src(%arg12 : memref<128x128xf32, #tpu.memory_space<vmem>>) dst(%dma_wait3A_86 : memref<128x128xf32, #tpu.memory_space<vmem_shared>>)
      tpu.yield
    }) : () -> ()
    %barrier3A = arith.constant 0 : index
    tpu.barrier barrier_id(%barrier3A)
    %scan3A_26 = arith.constant 0 : i32
    %scan3A_27 = arith.constant 0 : i32
    %scan3A_28 = arith.constant 78 : i32
    %scan3A_29 = arith.addi %scan3A_27, %scan3A_28 : i32
    %scan3A_30 = arith.constant 1 : i32
    scf.for %scan3A_79 = %scan3A_27 to %scan3A_29 step %scan3A_30  : i32 {
      %mul3A_80 = arith.constant 10000 : i32
      %mul3A_81 = arith.muli %add3A, %mul3A_80 : i32
      %mul3A_82 = arith.constant 128 : i32
      %mul3A_83 = arith.muli %scan3A_79, %mul3A_82 : i32
      %add3A_84 = arith.addi %mul3A_81, %mul3A_83 : i32
      "tpu.region"() ({
        %run_scoped3A = tpu.sem_alloc : memref<!tpu.dma_semaphore, #tpu.memory_space<semaphore_mem>>
        %dma_start3A_105 = tpu.memref_slice %arg3[%add3A_84] : memref<320000xi32, #tpu.memory_space<hbm>> -> memref<128xi32, #tpu.memory_space<hbm>>
        %dma_start3A_106 = tpu.memref_slice %arg3[%add3A_84] : memref<320000xi32, #tpu.memory_space<hbm>> -> memref<128xi32, #tpu.memory_space<hbm>>
        tpu.enqueue_dma source(%dma_start3A_106 : memref<128xi32, #tpu.memory_space<hbm>>) target(%arg8 : memref<128xi32, #tpu.memory_space<vmem>>) target_semaphore(%run_scoped3A : memref<!tpu.dma_semaphore, #tpu.memory_space<semaphore_mem>>)
        %dma_wait3A_107 = tpu.memref_slice %arg3[%add3A_84] : memref<320000xi32, #tpu.memory_space<hbm>> -> memref<128xi32, #tpu.memory_space<hbm>>
        %dma_wait3A_108 = tpu.memref_slice %arg3[%add3A_84] : memref<320000xi32, #tpu.memory_space<hbm>> -> memref<128xi32, #tpu.memory_space<hbm>>
        tpu.wait_dma2 semaphore(%run_scoped3A : memref<!tpu.dma_semaphore, #tpu.memory_space<semaphore_mem>>) src(%dma_wait3A_108 : memref<128xi32, #tpu.memory_space<hbm>>) dst(%arg8 : memref<128xi32, #tpu.memory_space<vmem>>)
        tpu.yield
      }) : () -> ()
      "tpu.region"() ({
        %run_scoped3A = tpu.sem_alloc : memref<!tpu.dma_semaphore, #tpu.memory_space<semaphore_mem>>
        %dma_start3A_105 = tpu.memref_slice %arg4[%add3A_84] : memref<320000xi32, #tpu.memory_space<hbm>> -> memref<128xi32, #tpu.memory_space<hbm>>
        %dma_start3A_106 = tpu.memref_slice %arg4[%add3A_84] : memref<320000xi32, #tpu.memory_space<hbm>> -> memref<128xi32, #tpu.memory_space<hbm>>
        tpu.enqueue_dma source(%dma_start3A_106 : memref<128xi32, #tpu.memory_space<hbm>>) target(%arg9 : memref<128xi32, #tpu.memory_space<vmem>>) target_semaphore(%run_scoped3A : memref<!tpu.dma_semaphore, #tpu.memory_space<semaphore_mem>>)
        %dma_wait3A_107 = tpu.memref_slice %arg4[%add3A_84] : memref<320000xi32, #tpu.memory_space<hbm>> -> memref<128xi32, #tpu.memory_space<hbm>>
        %dma_wait3A_108 = tpu.memref_slice %arg4[%add3A_84] : memref<320000xi32, #tpu.memory_space<hbm>> -> memref<128xi32, #tpu.memory_space<hbm>>
        tpu.wait_dma2 semaphore(%run_scoped3A : memref<!tpu.dma_semaphore, #tpu.memory_space<semaphore_mem>>) src(%dma_wait3A_108 : memref<128xi32, #tpu.memory_space<hbm>>) dst(%arg9 : memref<128xi32, #tpu.memory_space<vmem>>)
        tpu.yield
      }) : () -> ()
      %mul3A_85 = arith.constant 4 : i32
      %mul3A_86 = arith.muli %add3A_84, %mul3A_85 : i32
      "tpu.region"() ({
        %run_scoped3A = tpu.sem_alloc : memref<!tpu.dma_semaphore, #tpu.memory_space<semaphore_mem>>
        %dma_start3A_105 = arith.constant 0 : i32
        %dma_start3A_106 = tpu.memref_slice %arg11[%dma_start3A_105] : memref<512xf32, #tpu.memory_space<vmem>> -> memref<512xf32, #tpu.memory_space<vmem>>
        %dma_start3A_107 = tpu.memref_slice %arg5[%mul3A_86] : memref<1280000xf32, #tpu.memory_space<hbm>> -> memref<512xf32, #tpu.memory_space<hbm>>
        %dma_start3A_108 = arith.constant 0 : i32
        %dma_start3A_109 = tpu.memref_slice %arg11[%dma_start3A_108] : memref<512xf32, #tpu.memory_space<vmem>> -> memref<512xf32, #tpu.memory_space<vmem>>
        %dma_start3A_110 = tpu.memref_slice %arg5[%mul3A_86] : memref<1280000xf32, #tpu.memory_space<hbm>> -> memref<512xf32, #tpu.memory_space<hbm>>
        tpu.enqueue_dma source(%dma_start3A_110 : memref<512xf32, #tpu.memory_space<hbm>>) target(%dma_start3A_109 : memref<512xf32, #tpu.memory_space<vmem>>) target_semaphore(%run_scoped3A : memref<!tpu.dma_semaphore, #tpu.memory_space<semaphore_mem>>)
        %dma_wait3A_111 = arith.constant 0 : i32
        %dma_wait3A_112 = tpu.memref_slice %arg11[%dma_wait3A_111] : memref<512xf32, #tpu.memory_space<vmem>> -> memref<512xf32, #tpu.memory_space<vmem>>
        %dma_wait3A_113 = tpu.memref_slice %arg5[%mul3A_86] : memref<1280000xf32, #tpu.memory_space<hbm>> -> memref<512xf32, #tpu.memory_space<hbm>>
        %dma_wait3A_114 = arith.constant 0 : i32
        %dma_wait3A_115 = tpu.memref_slice %arg11[%dma_wait3A_114] : memref<512xf32, #tpu.memory_space<vmem>> -> memref<512xf32, #tpu.memory_space<vmem>>
        %dma_wait3A_116 = tpu.memref_slice %arg5[%mul3A_86] : memref<1280000xf32, #tpu.memory_space<hbm>> -> memref<512xf32, #tpu.memory_space<hbm>>
        tpu.wait_dma2 semaphore(%run_scoped3A : memref<!tpu.dma_semaphore, #tpu.memory_space<semaphore_mem>>) src(%dma_wait3A_116 : memref<512xf32, #tpu.memory_space<hbm>>) dst(%dma_wait3A_115 : memref<512xf32, #tpu.memory_space<vmem>>)
        tpu.yield
      }) : () -> ()
      %dma_start3A_87 = arith.constant 0 : i32
      %dma_start3A_88 = arith.constant 0 : i32
      %dma_start3A_89 = tpu.memref_slice %arg12[%dma_start3A_87, %dma_start3A_88] : memref<128x128xf32, #tpu.memory_space<vmem>> -> memref<128x128xf32, #tpu.memory_space<vmem>>
      %dma_start3A_90 = arith.constant 0 : i32
      %dma_start3A_91 = arith.constant 0 : i32
      %dma_start3A_92 = tpu.memref_slice %arg2[%dma_start3A_90, %dma_start3A_91] : memref<10000x128xf32, #tpu.memory_space<hbm>> -> memref<10000x128xf32, #tpu.memory_space<hbm>>
      tpu.enqueue_indirect_dma source(%dma_start3A_92 : memref<10000x128xf32, #tpu.memory_space<hbm>>) target(%dma_start3A_89 : memref<128x128xf32, #tpu.memory_space<vmem>>) offsets(%arg8 : memref<128xi32, #tpu.memory_space<vmem>>) semaphore(%arg13 : memref<!tpu.dma_semaphore, #tpu.memory_space<semaphore_mem>>)
      %dma_wait3A_93 = arith.constant 0 : i32
      %dma_wait3A_94 = arith.constant 0 : i32
      %dma_wait3A_95 = tpu.memref_slice %arg12[%dma_wait3A_93, %dma_wait3A_94] : memref<128x128xf32, #tpu.memory_space<vmem>> -> memref<128x128xf32, #tpu.memory_space<vmem>>
      %dma_wait3A_96 = arith.constant 0 : i32
      %dma_wait3A_97 = arith.constant 0 : i32
      %dma_wait3A_98 = tpu.memref_slice %arg2[%dma_wait3A_96, %dma_wait3A_97] : memref<10000x128xf32, #tpu.memory_space<hbm>> -> memref<10000x128xf32, #tpu.memory_space<hbm>>
      tpu.wait_indirect_dma semaphore(%arg13 : memref<!tpu.dma_semaphore, #tpu.memory_space<semaphore_mem>>) src(%dma_wait3A_98 : memref<10000x128xf32, #tpu.memory_space<hbm>>) dst(%dma_wait3A_95 : memref<128x128xf32, #tpu.memory_space<vmem>>)
      %scan3A_99 = arith.constant 0 : i32
      %scan3A_100 = arith.constant 0 : i32
      %scan3A_101 = arith.constant 32 : i32
      %scan3A_102 = arith.addi %scan3A_100, %scan3A_101 : i32
      %scan3A_103 = arith.constant 1 : i32
      scf.for %scan3A_105 = %scan3A_100 to %scan3A_102 step %scan3A_103  : i32 {
        %mul3A_106 = arith.constant 16 : i32
        %mul3A_107 = arith.muli %scan3A_105, %mul3A_106 : i32
        %get3A = arith.index_cast %mul3A_107 : i32 to index
        %get3A_108 = tpu.vector_load %arg11[%get3A] {strides = array<i32>} : memref<512xf32, #tpu.memory_space<vmem>>, vector<16xf32>,
        %get3A_109 = vector.shape_cast %get3A_108 : vector<16xf32> to vector<16xf32>
        %slice3A = vector.extract_strided_slice %get3A_109 {offsets = [0], sizes = [1], strides = [1]} : vector<16xf32> to vector<1xf32>
        %squeeze3A = vector.extract %slice3A[0] : f32 from vector<1xf32>
        %mul3A_110 = arith.constant 4 : i32
        %mul3A_111 = arith.muli %scan3A_105, %mul3A_110 : i32
        %add3A_112 = arith.constant 0 : i32
        %add3A_113 = arith.addi %mul3A_111, %add3A_112 : i32
        %get3A_114 = arith.index_cast %add3A_113 : i32 to index
        %get3A_115 = arith.constant 0 : index
        %get3A_116 = tpu.vector_load %arg12[%get3A_114, %get3A_115] {strides = array<i32>} : memref<128x128xf32, #tpu.memory_space<vmem>>, vector<1x16xf32>,
        %get3A_117 = vector.shape_cast %get3A_116 : vector<1x16xf32> to vector<16xf32>
        %mul3A_118 = vector.broadcast %squeeze3A : f32 to vector<16xf32>
        %mul3A_119 = arith.mulf %get3A_117, %mul3A_118 : vector<16xf32>
        %mul3A_120 = arith.constant 4 : i32
        %mul3A_121 = arith.muli %scan3A_105, %mul3A_120 : i32
        %add3A_122 = arith.constant 0 : i32
        %add3A_123 = arith.addi %mul3A_121, %add3A_122 : i32
        %swap3A = arith.index_cast %add3A_123 : i32 to index
        %swap3A_124 = arith.constant 0 : index
        %swap3A_125 = tpu.vector_load %arg12[%swap3A, %swap3A_124] {strides = array<i32>} : memref<128x128xf32, #tpu.memory_space<vmem>>, vector<1x16xf32>,
        %swap3A_126 = vector.shape_cast %swap3A_125 : vector<1x16xf32> to vector<16xf32>
        %swap3A_127 = vector.shape_cast %mul3A_119 : vector<16xf32> to vector<1x16xf32>
        tpu.vector_store %arg12[%swap3A, %swap3A_124], %swap3A_127 {strides = array<i32>} : memref<128x128xf32, #tpu.memory_space<vmem>>, vector<1x16xf32>,
        %mul3A_128 = arith.constant 4 : i32
        %mul3A_129 = arith.muli %scan3A_105, %mul3A_128 : i32
        %add3A_130 = arith.constant 0 : i32
        %add3A_131 = arith.addi %mul3A_129, %add3A_130 : i32
        %get3A_132 = arith.index_cast %add3A_131 : i32 to index
        %get3A_133 = arith.constant 16 : index
        %get3A_134 = tpu.vector_load %arg12[%get3A_132, %get3A_133] {strides = array<i32>} : memref<128x128xf32, #tpu.memory_space<vmem>>, vector<1x16xf32>,
        %get3A_135 = vector.shape_cast %get3A_134 : vector<1x16xf32> to vector<16xf32>
        %mul3A_136 = vector.broadcast %squeeze3A : f32 to vector<16xf32>
        %mul3A_137 = arith.mulf %get3A_135, %mul3A_136 : vector<16xf32>
        %mul3A_138 = arith.constant 4 : i32
        %mul3A_139 = arith.muli %scan3A_105, %mul3A_138 : i32
        %add3A_140 = arith.constant 0 : i32
        %add3A_141 = arith.addi %mul3A_139, %add3A_140 : i32
        %swap3A_142 = arith.index_cast %add3A_141 : i32 to index
        %swap3A_143 = arith.constant 16 : index
        %swap3A_144 = tpu.vector_load %arg12[%swap3A_142, %swap3A_143] {strides = array<i32>} : memref<128x128xf32, #tpu.memory_space<vmem>>, vector<1x16xf32>,
        %swap3A_145 = vector.shape_cast %swap3A_144 : vector<1x16xf32> to vector<16xf32>
        %swap3A_146 = vector.shape_cast %mul3A_137 : vector<16xf32> to vector<1x16xf32>
        tpu.vector_store %arg12[%swap3A_142, %swap3A_143], %swap3A_146 {strides = array<i32>} : memref<128x128xf32, #tpu.memory_space<vmem>>, vector<1x16xf32>,
        %slice3A_147 = vector.extract_strided_slice %get3A_109 {offsets = [1], sizes = [1], strides = [1]} : vector<16xf32> to vector<1xf32>
        %squeeze3A_148 = vector.extract %slice3A_147[0] : f32 from vector<1xf32>
        %mul3A_149 = arith.constant 4 : i32
        %mul3A_150 = arith.muli %scan3A_105, %mul3A_149 : i32
        %add3A_151 = arith.constant 0 : i32
        %add3A_152 = arith.addi %mul3A_150, %add3A_151 : i32
        %get3A_153 = arith.index_cast %add3A_152 : i32 to index
        %get3A_154 = arith.constant 32 : index
        %get3A_155 = tpu.vector_load %arg12[%get3A_153, %get3A_154] {strides = array<i32>} : memref<128x128xf32, #tpu.memory_space<vmem>>, vector<1x16xf32>,
        %get3A_156 = vector.shape_cast %get3A_155 : vector<1x16xf32> to vector<16xf32>
        %mul3A_157 = vector.broadcast %squeeze3A_148 : f32 to vector<16xf32>
        %mul3A_158 = arith.mulf %get3A_156, %mul3A_157 : vector<16xf32>
        %mul3A_159 = arith.constant 4 : i32
        %mul3A_160 = arith.muli %scan3A_105, %mul3A_159 : i32
        %add3A_161 = arith.constant 0 : i32
        %add3A_162 = arith.addi %mul3A_160, %add3A_161 : i32
        %swap3A_163 = arith.index_cast %add3A_162 : i32 to index
        %swap3A_164 = arith.constant 32 : index
        %swap3A_165 = tpu.vector_load %arg12[%swap3A_163, %swap3A_164] {strides = array<i32>} : memref<128x128xf32, #tpu.memory_space<vmem>>, vector<1x16xf32>,
        %swap3A_166 = vector.shape_cast %swap3A_165 : vector<1x16xf32> to vector<16xf32>
        %swap3A_167 = vector.shape_cast %mul3A_158 : vector<16xf32> to vector<1x16xf32>
        tpu.vector_store %arg12[%swap3A_163, %swap3A_164], %swap3A_167 {strides = array<i32>} : memref<128x128xf32, #tpu.memory_space<vmem>>, vector<1x16xf32>,
        %mul3A_168 = arith.constant 4 : i32
        %mul3A_169 = arith.muli %scan3A_105, %mul3A_168 : i32
        %add3A_170 = arith.constant 0 : i32
        %add3A_171 = arith.addi %mul3A_169, %add3A_170 : i32
        %get3A_172 = arith.index_cast %add3A_171 : i32 to index
        %get3A_173 = arith.constant 48 : index
        %get3A_174 = tpu.vector_load %arg12[%get3A_172, %get3A_173] {strides = array<i32>} : memref<128x128xf32, #tpu.memory_space<vmem>>, vector<1x16xf32>,
        %get3A_175 = vector.shape_cast %get3A_174 : vector<1x16xf32> to vector<16xf32>
        %mul3A_176 = vector.broadcast %squeeze3A_148 : f32 to vector<16xf32>
        %mul3A_177 = arith.mulf %get3A_175, %mul3A_176 : vector<16xf32>
        %mul3A_178 = arith.constant 4 : i32
        %mul3A_179 = arith.muli %scan3A_105, %mul3A_178 : i32
        %add3A_180 = arith.constant 0 : i32
        %add3A_181 = arith.addi %mul3A_179, %add3A_180 : i32
        %swap3A_182 = arith.index_cast %add3A_181 : i32 to index
        %swap3A_183 = arith.constant 48 : index
        %swap3A_184 = tpu.vector_load %arg12[%swap3A_182, %swap3A_183] {strides = array<i32>} : memref<128x128xf32, #tpu.memory_space<vmem>>, vector<1x16xf32>,
        %swap3A_185 = vector.shape_cast %swap3A_184 : vector<1x16xf32> to vector<16xf32>
        %swap3A_186 = vector.shape_cast %mul3A_177 : vector<16xf32> to vector<1x16xf32>
        tpu.vector_store %arg12[%swap3A_182, %swap3A_183], %swap3A_186 {strides = array<i32>} : memref<128x128xf32, #tpu.memory_space<vmem>>, vector<1x16xf32>,
        %slice3A_187 = vector.extract_strided_slice %get3A_109 {offsets = [2], sizes = [1], strides = [1]} : vector<16xf32> to vector<1xf32>
        %squeeze3A_188 = vector.extract %slice3A_187[0] : f32 from vector<1xf32>
        %mul3A_189 = arith.constant 4 : i32
        %mul3A_190 = arith.muli %scan3A_105, %mul3A_189 : i32
        %add3A_191 = arith.constant 0 : i32
        %add3A_192 = arith.addi %mul3A_190, %add3A_191 : i32
        %get3A_193 = arith.index_cast %add3A_192 : i32 to index
        %get3A_194 = arith.constant 64 : index
        %get3A_195 = tpu.vector_load %arg12[%get3A_193, %get3A_194] {strides = array<i32>} : memref<128x128xf32, #tpu.memory_space<vmem>>, vector<1x16xf32>,
        %get3A_196 = vector.shape_cast %get3A_195 : vector<1x16xf32> to vector<16xf32>
        %mul3A_197 = vector.broadcast %squeeze3A_188 : f32 to vector<16xf32>
        %mul3A_198 = arith.mulf %get3A_196, %mul3A_197 : vector<16xf32>
        %mul3A_199 = arith.constant 4 : i32
        %mul3A_200 = arith.muli %scan3A_105, %mul3A_199 : i32
        %add3A_201 = arith.constant 0 : i32
        %add3A_202 = arith.addi %mul3A_200, %add3A_201 : i32
        %swap3A_203 = arith.index_cast %add3A_202 : i32 to index
        %swap3A_204 = arith.constant 64 : index
        %swap3A_205 = tpu.vector_load %arg12[%swap3A_203, %swap3A_204] {strides = array<i32>} : memref<128x128xf32, #tpu.memory_space<vmem>>, vector<1x16xf32>,
        %swap3A_206 = vector.shape_cast %swap3A_205 : vector<1x16xf32> to vector<16xf32>
        %swap3A_207 = vector.shape_cast %mul3A_198 : vector<16xf32> to vector<1x16xf32>
        tpu.vector_store %arg12[%swap3A_203, %swap3A_204], %swap3A_207 {strides = array<i32>} : memref<128x128xf32, #tpu.memory_space<vmem>>, vector<1x16xf32>,
        %mul3A_208 = arith.constant 4 : i32
        %mul3A_209 = arith.muli %scan3A_105, %mul3A_208 : i32
        %add3A_210 = arith.constant 0 : i32
        %add3A_211 = arith.addi %mul3A_209, %add3A_210 : i32
        %get3A_212 = arith.index_cast %add3A_211 : i32 to index
        %get3A_213 = arith.constant 80 : index
        %get3A_214 = tpu.vector_load %arg12[%get3A_212, %get3A_213] {strides = array<i32>} : memref<128x128xf32, #tpu.memory_space<vmem>>, vector<1x16xf32>,
        %get3A_215 = vector.shape_cast %get3A_214 : vector<1x16xf32> to vector<16xf32>
        %mul3A_216 = vector.broadcast %squeeze3A_188 : f32 to vector<16xf32>
        %mul3A_217 = arith.mulf %get3A_215, %mul3A_216 : vector<16xf32>
        %mul3A_218 = arith.constant 4 : i32
        %mul3A_219 = arith.muli %scan3A_105, %mul3A_218 : i32
        %add3A_220 = arith.constant 0 : i32
        %add3A_221 = arith.addi %mul3A_219, %add3A_220 : i32
        %swap3A_222 = arith.index_cast %add3A_221 : i32 to index
        %swap3A_223 = arith.constant 80 : index
        %swap3A_224 = tpu.vector_load %arg12[%swap3A_222, %swap3A_223] {strides = array<i32>} : memref<128x128xf32, #tpu.memory_space<vmem>>, vector<1x16xf32>,
        %swap3A_225 = vector.shape_cast %swap3A_224 : vector<1x16xf32> to vector<16xf32>
        %swap3A_226 = vector.shape_cast %mul3A_217 : vector<16xf32> to vector<1x16xf32>
        tpu.vector_store %arg12[%swap3A_222, %swap3A_223], %swap3A_226 {strides = array<i32>} : memref<128x128xf32, #tpu.memory_space<vmem>>, vector<1x16xf32>,
        %slice3A_227 = vector.extract_strided_slice %get3A_109 {offsets = [3], sizes = [1], strides = [1]} : vector<16xf32> to vector<1xf32>
        %squeeze3A_228 = vector.extract %slice3A_227[0] : f32 from vector<1xf32>
        %mul3A_229 = arith.constant 4 : i32
        %mul3A_230 = arith.muli %scan3A_105, %mul3A_229 : i32
        %add3A_231 = arith.constant 0 : i32
        %add3A_232 = arith.addi %mul3A_230, %add3A_231 : i32
        %get3A_233 = arith.index_cast %add3A_232 : i32 to index
        %get3A_234 = arith.constant 96 : index
        %get3A_235 = tpu.vector_load %arg12[%get3A_233, %get3A_234] {strides = array<i32>} : memref<128x128xf32, #tpu.memory_space<vmem>>, vector<1x16xf32>,
        %get3A_236 = vector.shape_cast %get3A_235 : vector<1x16xf32> to vector<16xf32>
        %mul3A_237 = vector.broadcast %squeeze3A_228 : f32 to vector<16xf32>
        %mul3A_238 = arith.mulf %get3A_236, %mul3A_237 : vector<16xf32>
        %mul3A_239 = arith.constant 4 : i32
        %mul3A_240 = arith.muli %scan3A_105, %mul3A_239 : i32
        %add3A_241 = arith.constant 0 : i32
        %add3A_242 = arith.addi %mul3A_240, %add3A_241 : i32
        %swap3A_243 = arith.index_cast %add3A_242 : i32 to index
        %swap3A_244 = arith.constant 96 : index
        %swap3A_245 = tpu.vector_load %arg12[%swap3A_243, %swap3A_244] {strides = array<i32>} : memref<128x128xf32, #tpu.memory_space<vmem>>, vector<1x16xf32>,
        %swap3A_246 = vector.shape_cast %swap3A_245 : vector<1x16xf32> to vector<16xf32>
        %swap3A_247 = vector.shape_cast %mul3A_238 : vector<16xf32> to vector<1x16xf32>
        tpu.vector_store %arg12[%swap3A_243, %swap3A_244], %swap3A_247 {strides = array<i32>} : memref<128x128xf32, #tpu.memory_space<vmem>>, vector<1x16xf32>,
        %mul3A_248 = arith.constant 4 : i32
        %mul3A_249 = arith.muli %scan3A_105, %mul3A_248 : i32
        %add3A_250 = arith.constant 0 : i32
        %add3A_251 = arith.addi %mul3A_249, %add3A_250 : i32
        %get3A_252 = arith.index_cast %add3A_251 : i32 to index
        %get3A_253 = arith.constant 112 : index
        %get3A_254 = tpu.vector_load %arg12[%get3A_252, %get3A_253] {strides = array<i32>} : memref<128x128xf32, #tpu.memory_space<vmem>>, vector<1x16xf32>,
        %get3A_255 = vector.shape_cast %get3A_254 : vector<1x16xf32> to vector<16xf32>
        %mul3A_256 = vector.broadcast %squeeze3A_228 : f32 to vector<16xf32>
        %mul3A_257 = arith.mulf %get3A_255, %mul3A_256 : vector<16xf32>
        %mul3A_258 = arith.constant 4 : i32
        %mul3A_259 = arith.muli %scan3A_105, %mul3A_258 : i32
        %add3A_260 = arith.constant 0 : i32
        %add3A_261 = arith.addi %mul3A_259, %add3A_260 : i32
        %swap3A_262 = arith.index_cast %add3A_261 : i32 to index
        %swap3A_263 = arith.constant 112 : index
        %swap3A_264 = tpu.vector_load %arg12[%swap3A_262, %swap3A_263] {strides = array<i32>} : memref<128x128xf32, #tpu.memory_space<vmem>>, vector<1x16xf32>,
        %swap3A_265 = vector.shape_cast %swap3A_264 : vector<1x16xf32> to vector<16xf32>
        %swap3A_266 = vector.shape_cast %mul3A_257 : vector<16xf32> to vector<1x16xf32>
        tpu.vector_store %arg12[%swap3A_262, %swap3A_263], %swap3A_266 {strides = array<i32>} : memref<128x128xf32, #tpu.memory_space<vmem>>, vector<1x16xf32>,
        %slice3A_267 = vector.extract_strided_slice %get3A_109 {offsets = [4], sizes = [1], strides = [1]} : vector<16xf32> to vector<1xf32>
        %squeeze3A_268 = vector.extract %slice3A_267[0] : f32 from vector<1xf32>
        %mul3A_269 = arith.constant 4 : i32
        %mul3A_270 = arith.muli %scan3A_105, %mul3A_269 : i32
        %add3A_271 = arith.constant 1 : i32
        %add3A_272 = arith.addi %mul3A_270, %add3A_271 : i32
        %get3A_273 = arith.index_cast %add3A_272 : i32 to index
        %get3A_274 = arith.constant 0 : index
        %get3A_275 = tpu.vector_load %arg12[%get3A_273, %get3A_274] {strides = array<i32>} : memref<128x128xf32, #tpu.memory_space<vmem>>, vector<1x16xf32>,
        %get3A_276 = vector.shape_cast %get3A_275 : vector<1x16xf32> to vector<16xf32>
        %mul3A_277 = vector.broadcast %squeeze3A_268 : f32 to vector<16xf32>
        %mul3A_278 = arith.mulf %get3A_276, %mul3A_277 : vector<16xf32>
        %mul3A_279 = arith.constant 4 : i32
        %mul3A_280 = arith.muli %scan3A_105, %mul3A_279 : i32
        %add3A_281 = arith.constant 1 : i32
        %add3A_282 = arith.addi %mul3A_280, %add3A_281 : i32
        %swap3A_283 = arith.index_cast %add3A_282 : i32 to index
        %swap3A_284 = arith.constant 0 : index
        %swap3A_285 = tpu.vector_load %arg12[%swap3A_283, %swap3A_284] {strides = array<i32>} : memref<128x128xf32, #tpu.memory_space<vmem>>, vector<1x16xf32>,
        %swap3A_286 = vector.shape_cast %swap3A_285 : vector<1x16xf32> to vector<16xf32>
        %swap3A_287 = vector.shape_cast %mul3A_278 : vector<16xf32> to vector<1x16xf32>
        tpu.vector_store %arg12[%swap3A_283, %swap3A_284], %swap3A_287 {strides = array<i32>} : memref<128x128xf32, #tpu.memory_space<vmem>>, vector<1x16xf32>,
        %mul3A_288 = arith.constant 4 : i32
        %mul3A_289 = arith.muli %scan3A_105, %mul3A_288 : i32
        %add3A_290 = arith.constant 1 : i32
        %add3A_291 = arith.addi %mul3A_289, %add3A_290 : i32
        %get3A_292 = arith.index_cast %add3A_291 : i32 to index
        %get3A_293 = arith.constant 16 : index
        %get3A_294 = tpu.vector_load %arg12[%get3A_292, %get3A_293] {strides = array<i32>} : memref<128x128xf32, #tpu.memory_space<vmem>>, vector<1x16xf32>,
        %get3A_295 = vector.shape_cast %get3A_294 : vector<1x16xf32> to vector<16xf32>
        %mul3A_296 = vector.broadcast %squeeze3A_268 : f32 to vector<16xf32>
        %mul3A_297 = arith.mulf %get3A_295, %mul3A_296 : vector<16xf32>
        %mul3A_298 = arith.constant 4 : i32
        %mul3A_299 = arith.muli %scan3A_105, %mul3A_298 : i32
        %add3A_300 = arith.constant 1 : i32
        %add3A_301 = arith.addi %mul3A_299, %add3A_300 : i32
        %swap3A_302 = arith.index_cast %add3A_301 : i32 to index
        %swap3A_303 = arith.constant 16 : index
        %swap3A_304 = tpu.vector_load %arg12[%swap3A_302, %swap3A_303] {strides = array<i32>} : memref<128x128xf32, #tpu.memory_space<vmem>>, vector<1x16xf32>,
        %swap3A_305 = vector.shape_cast %swap3A_304 : vector<1x16xf32> to vector<16xf32>
        %swap3A_306 = vector.shape_cast %mul3A_297 : vector<16xf32> to vector<1x16xf32>
        tpu.vector_store %arg12[%swap3A_302, %swap3A_303], %swap3A_306 {strides = array<i32>} : memref<128x128xf32, #tpu.memory_space<vmem>>, vector<1x16xf32>,
        %slice3A_307 = vector.extract_strided_slice %get3A_109 {offsets = [5], sizes = [1], strides = [1]} : vector<16xf32> to vector<1xf32>
        %squeeze3A_308 = vector.extract %slice3A_307[0] : f32 from vector<1xf32>
        %mul3A_309 = arith.constant 4 : i32
        %mul3A_310 = arith.muli %scan3A_105, %mul3A_309 : i32
        %add3A_311 = arith.constant 1 : i32
        %add3A_312 = arith.addi %mul3A_310, %add3A_311 : i32
        %get3A_313 = arith.index_cast %add3A_312 : i32 to index
        %get3A_314 = arith.constant 32 : index
        %get3A_315 = tpu.vector_load %arg12[%get3A_313, %get3A_314] {strides = array<i32>} : memref<128x128xf32, #tpu.memory_space<vmem>>, vector<1x16xf32>,
        %get3A_316 = vector.shape_cast %get3A_315 : vector<1x16xf32> to vector<16xf32>
        %mul3A_317 = vector.broadcast %squeeze3A_308 : f32 to vector<16xf32>
        %mul3A_318 = arith.mulf %get3A_316, %mul3A_317 : vector<16xf32>
        %mul3A_319 = arith.constant 4 : i32
        %mul3A_320 = arith.muli %scan3A_105, %mul3A_319 : i32
        %add3A_321 = arith.constant 1 : i32
        %add3A_322 = arith.addi %mul3A_320, %add3A_321 : i32
        %swap3A_323 = arith.index_cast %add3A_322 : i32 to index
        %swap3A_324 = arith.constant 32 : index
        %swap3A_325 = tpu.vector_load %arg12[%swap3A_323, %swap3A_324] {strides = array<i32>} : memref<128x128xf32, #tpu.memory_space<vmem>>, vector<1x16xf32>,
        %swap3A_326 = vector.shape_cast %swap3A_325 : vector<1x16xf32> to vector<16xf32>
        %swap3A_327 = vector.shape_cast %mul3A_318 : vector<16xf32> to vector<1x16xf32>
        tpu.vector_store %arg12[%swap3A_323, %swap3A_324], %swap3A_327 {strides = array<i32>} : memref<128x128xf32, #tpu.memory_space<vmem>>, vector<1x16xf32>,
        %mul3A_328 = arith.constant 4 : i32
        %mul3A_329 = arith.muli %scan3A_105, %mul3A_328 : i32
        %add3A_330 = arith.constant 1 : i32
        %add3A_331 = arith.addi %mul3A_329, %add3A_330 : i32
        %get3A_332 = arith.index_cast %add3A_331 : i32 to index
        %get3A_333 = arith.constant 48 : index
        %get3A_334 = tpu.vector_load %arg12[%get3A_332, %get3A_333] {strides = array<i32>} : memref<128x128xf32, #tpu.memory_space<vmem>>, vector<1x16xf32>,
        %get3A_335 = vector.shape_cast %get3A_334 : vector<1x16xf32> to vector<16xf32>
        %mul3A_336 = vector.broadcast %squeeze3A_308 : f32 to vector<16xf32>
        %mul3A_337 = arith.mulf %get3A_335, %mul3A_336 : vector<16xf32>
        %mul3A_338 = arith.constant 4 : i32
        %mul3A_339 = arith.muli %scan3A_105, %mul3A_338 : i32
        %add3A_340 = arith.constant 1 : i32
        %add3A_341 = arith.addi %mul3A_339, %add3A_340 : i32
        %swap3A_342 = arith.index_cast %add3A_341 : i32 to index
        %swap3A_343 = arith.constant 48 : index
        %swap3A_344 = tpu.vector_load %arg12[%swap3A_342, %swap3A_343] {strides = array<i32>} : memref<128x128xf32, #tpu.memory_space<vmem>>, vector<1x16xf32>,
        %swap3A_345 = vector.shape_cast %swap3A_344 : vector<1x16xf32> to vector<16xf32>
        %swap3A_346 = vector.shape_cast %mul3A_337 : vector<16xf32> to vector<1x16xf32>
        tpu.vector_store %arg12[%swap3A_342, %swap3A_343], %swap3A_346 {strides = array<i32>} : memref<128x128xf32, #tpu.memory_space<vmem>>, vector<1x16xf32>,
        %slice3A_347 = vector.extract_strided_slice %get3A_109 {offsets = [6], sizes = [1], strides = [1]} : vector<16xf32> to vector<1xf32>
        %squeeze3A_348 = vector.extract %slice3A_347[0] : f32 from vector<1xf32>
        %mul3A_349 = arith.constant 4 : i32
        %mul3A_350 = arith.muli %scan3A_105, %mul3A_349 : i32
        %add3A_351 = arith.constant 1 : i32
        %add3A_352 = arith.addi %mul3A_350, %add3A_351 : i32
        %get3A_353 = arith.index_cast %add3A_352 : i32 to index
        %get3A_354 = arith.constant 64 : index
        %get3A_355 = tpu.vector_load %arg12[%get3A_353, %get3A_354] {strides = array<i32>} : memref<128x128xf32, #tpu.memory_space<vmem>>, vector<1x16xf32>,
        %get3A_356 = vector.shape_cast %get3A_355 : vector<1x16xf32> to vector<16xf32>
        %mul3A_357 = vector.broadcast %squeeze3A_348 : f32 to vector<16xf32>
        %mul3A_358 = arith.mulf %get3A_356, %mul3A_357 : vector<16xf32>
        %mul3A_359 = arith.constant 4 : i32
        %mul3A_360 = arith.muli %scan3A_105, %mul3A_359 : i32
        %add3A_361 = arith.constant 1 : i32
        %add3A_362 = arith.addi %mul3A_360, %add3A_361 : i32
        %swap3A_363 = arith.index_cast %add3A_362 : i32 to index
        %swap3A_364 = arith.constant 64 : index
        %swap3A_365 = tpu.vector_load %arg12[%swap3A_363, %swap3A_364] {strides = array<i32>} : memref<128x128xf32, #tpu.memory_space<vmem>>, vector<1x16xf32>,
        %swap3A_366 = vector.shape_cast %swap3A_365 : vector<1x16xf32> to vector<16xf32>
        %swap3A_367 = vector.shape_cast %mul3A_358 : vector<16xf32> to vector<1x16xf32>
        tpu.vector_store %arg12[%swap3A_363, %swap3A_364], %swap3A_367 {strides = array<i32>} : memref<128x128xf32, #tpu.memory_space<vmem>>, vector<1x16xf32>,
        %mul3A_368 = arith.constant 4 : i32
        %mul3A_369 = arith.muli %scan3A_105, %mul3A_368 : i32
        %add3A_370 = arith.constant 1 : i32
        %add3A_371 = arith.addi %mul3A_369, %add3A_370 : i32
        %get3A_372 = arith.index_cast %add3A_371 : i32 to index
        %get3A_373 = arith.constant 80 : index
        %get3A_374 = tpu.vector_load %arg12[%get3A_372, %get3A_373] {strides = array<i32>} : memref<128x128xf32, #tpu.memory_space<vmem>>, vector<1x16xf32>,
        %get3A_375 = vector.shape_cast %get3A_374 : vector<1x16xf32> to vector<16xf32>
        %mul3A_376 = vector.broadcast %squeeze3A_348 : f32 to vector<16xf32>
        %mul3A_377 = arith.mulf %get3A_375, %mul3A_376 : vector<16xf32>
        %mul3A_378 = arith.constant 4 : i32
        %mul3A_379 = arith.muli %scan3A_105, %mul3A_378 : i32
        %add3A_380 = arith.constant 1 : i32
        %add3A_381 = arith.addi %mul3A_379, %add3A_380 : i32
        %swap3A_382 = arith.index_cast %add3A_381 : i32 to index
        %swap3A_383 = arith.constant 80 : index
        %swap3A_384 = tpu.vector_load %arg12[%swap3A_382, %swap3A_383] {strides = array<i32>} : memref<128x128xf32, #tpu.memory_space<vmem>>, vector<1x16xf32>,
        %swap3A_385 = vector.shape_cast %swap3A_384 : vector<1x16xf32> to vector<16xf32>
        %swap3A_386 = vector.shape_cast %mul3A_377 : vector<16xf32> to vector<1x16xf32>
        tpu.vector_store %arg12[%swap3A_382, %swap3A_383], %swap3A_386 {strides = array<i32>} : memref<128x128xf32, #tpu.memory_space<vmem>>, vector<1x16xf32>,
        %slice3A_387 = vector.extract_strided_slice %get3A_109 {offsets = [7], sizes = [1], strides = [1]} : vector<16xf32> to vector<1xf32>
        %squeeze3A_388 = vector.extract %slice3A_387[0] : f32 from vector<1xf32>
        %mul3A_389 = arith.constant 4 : i32
        %mul3A_390 = arith.muli %scan3A_105, %mul3A_389 : i32
        %add3A_391 = arith.constant 1 : i32
        %add3A_392 = arith.addi %mul3A_390, %add3A_391 : i32
        %get3A_393 = arith.index_cast %add3A_392 : i32 to index
        %get3A_394 = arith.constant 96 : index
        %get3A_395 = tpu.vector_load %arg12[%get3A_393, %get3A_394] {strides = array<i32>} : memref<128x128xf32, #tpu.memory_space<vmem>>, vector<1x16xf32>,
        %get3A_396 = vector.shape_cast %get3A_395 : vector<1x16xf32> to vector<16xf32>
        %mul3A_397 = vector.broadcast %squeeze3A_388 : f32 to vector<16xf32>
        %mul3A_398 = arith.mulf %get3A_396, %mul3A_397 : vector<16xf32>
        %mul3A_399 = arith.constant 4 : i32
        %mul3A_400 = arith.muli %scan3A_105, %mul3A_399 : i32
        %add3A_401 = arith.constant 1 : i32
        %add3A_402 = arith.addi %mul3A_400, %add3A_401 : i32
        %swap3A_403 = arith.index_cast %add3A_402 : i32 to index
        %swap3A_404 = arith.constant 96 : index
        %swap3A_405 = tpu.vector_load %arg12[%swap3A_403, %swap3A_404] {strides = array<i32>} : memref<128x128xf32, #tpu.memory_space<vmem>>, vector<1x16xf32>,
        %swap3A_406 = vector.shape_cast %swap3A_405 : vector<1x16xf32> to vector<16xf32>
        %swap3A_407 = vector.shape_cast %mul3A_398 : vector<16xf32> to vector<1x16xf32>
        tpu.vector_store %arg12[%swap3A_403, %swap3A_404], %swap3A_407 {strides = array<i32>} : memref<128x128xf32, #tpu.memory_space<vmem>>, vector<1x16xf32>,
        %mul3A_408 = arith.constant 4 : i32
        %mul3A_409 = arith.muli %scan3A_105, %mul3A_408 : i32
        %add3A_410 = arith.constant 1 : i32
        %add3A_411 = arith.addi %mul3A_409, %add3A_410 : i32
        %get3A_412 = arith.index_cast %add3A_411 : i32 to index
        %get3A_413 = arith.constant 112 : index
        %get3A_414 = tpu.vector_load %arg12[%get3A_412, %get3A_413] {strides = array<i32>} : memref<128x128xf32, #tpu.memory_space<vmem>>, vector<1x16xf32>,
        %get3A_415 = vector.shape_cast %get3A_414 : vector<1x16xf32> to vector<16xf32>
        %mul3A_416 = vector.broadcast %squeeze3A_388 : f32 to vector<16xf32>
        %mul3A_417 = arith.mulf %get3A_415, %mul3A_416 : vector<16xf32>
        %mul3A_418 = arith.constant 4 : i32
        %mul3A_419 = arith.muli %scan3A_105, %mul3A_418 : i32
        %add3A_420 = arith.constant 1 : i32
        %add3A_421 = arith.addi %mul3A_419, %add3A_420 : i32
        %swap3A_422 = arith.index_cast %add3A_421 : i32 to index
        %swap3A_423 = arith.constant 112 : index
        %swap3A_424 = tpu.vector_load %arg12[%swap3A_422, %swap3A_423] {strides = array<i32>} : memref<128x128xf32, #tpu.memory_space<vmem>>, vector<1x16xf32>,
        %swap3A_425 = vector.shape_cast %swap3A_424 : vector<1x16xf32> to vector<16xf32>
        %swap3A_426 = vector.shape_cast %mul3A_417 : vector<16xf32> to vector<1x16xf32>
        tpu.vector_store %arg12[%swap3A_422, %swap3A_423], %swap3A_426 {strides = array<i32>} : memref<128x128xf32, #tpu.memory_space<vmem>>, vector<1x16xf32>,
        %slice3A_427 = vector.extract_strided_slice %get3A_109 {offsets = [8], sizes = [1], strides = [1]} : vector<16xf32> to vector<1xf32>
        %squeeze3A_428 = vector.extract %slice3A_427[0] : f32 from vector<1xf32>
        %mul3A_429 = arith.constant 4 : i32
        %mul3A_430 = arith.muli %scan3A_105, %mul3A_429 : i32
        %add3A_431 = arith.constant 2 : i32
        %add3A_432 = arith.addi %mul3A_430, %add3A_431 : i32
        %get3A_433 = arith.index_cast %add3A_432 : i32 to index
        %get3A_434 = arith.constant 0 : index
        %get3A_435 = tpu.vector_load %arg12[%get3A_433, %get3A_434] {strides = array<i32>} : memref<128x128xf32, #tpu.memory_space<vmem>>, vector<1x16xf32>,
        %get3A_436 = vector.shape_cast %get3A_435 : vector<1x16xf32> to vector<16xf32>
        %mul3A_437 = vector.broadcast %squeeze3A_428 : f32 to vector<16xf32>
        %mul3A_438 = arith.mulf %get3A_436, %mul3A_437 : vector<16xf32>
        %mul3A_439 = arith.constant 4 : i32
        %mul3A_440 = arith.muli %scan3A_105, %mul3A_439 : i32
        %add3A_441 = arith.constant 2 : i32
        %add3A_442 = arith.addi %mul3A_440, %add3A_441 : i32
        %swap3A_443 = arith.index_cast %add3A_442 : i32 to index
        %swap3A_444 = arith.constant 0 : index
        %swap3A_445 = tpu.vector_load %arg12[%swap3A_443, %swap3A_444] {strides = array<i32>} : memref<128x128xf32, #tpu.memory_space<vmem>>, vector<1x16xf32>,
        %swap3A_446 = vector.shape_cast %swap3A_445 : vector<1x16xf32> to vector<16xf32>
        %swap3A_447 = vector.shape_cast %mul3A_438 : vector<16xf32> to vector<1x16xf32>
        tpu.vector_store %arg12[%swap3A_443, %swap3A_444], %swap3A_447 {strides = array<i32>} : memref<128x128xf32, #tpu.memory_space<vmem>>, vector<1x16xf32>,
        %mul3A_448 = arith.constant 4 : i32
        %mul3A_449 = arith.muli %scan3A_105, %mul3A_448 : i32
        %add3A_450 = arith.constant 2 : i32
        %add3A_451 = arith.addi %mul3A_449, %add3A_450 : i32
        %get3A_452 = arith.index_cast %add3A_451 : i32 to index
        %get3A_453 = arith.constant 16 : index
        %get3A_454 = tpu.vector_load %arg12[%get3A_452, %get3A_453] {strides = array<i32>} : memref<128x128xf32, #tpu.memory_space<vmem>>, vector<1x16xf32>,
        %get3A_455 = vector.shape_cast %get3A_454 : vector<1x16xf32> to vector<16xf32>
        %mul3A_456 = vector.broadcast %squeeze3A_428 : f32 to vector<16xf32>
        %mul3A_457 = arith.mulf %get3A_455, %mul3A_456 : vector<16xf32>
        %mul3A_458 = arith.constant 4 : i32
        %mul3A_459 = arith.muli %scan3A_105, %mul3A_458 : i32
        %add3A_460 = arith.constant 2 : i32
        %add3A_461 = arith.addi %mul3A_459, %add3A_460 : i32
        %swap3A_462 = arith.index_cast %add3A_461 : i32 to index
        %swap3A_463 = arith.constant 16 : index
        %swap3A_464 = tpu.vector_load %arg12[%swap3A_462, %swap3A_463] {strides = array<i32>} : memref<128x128xf32, #tpu.memory_space<vmem>>, vector<1x16xf32>,
        %swap3A_465 = vector.shape_cast %swap3A_464 : vector<1x16xf32> to vector<16xf32>
        %swap3A_466 = vector.shape_cast %mul3A_457 : vector<16xf32> to vector<1x16xf32>
        tpu.vector_store %arg12[%swap3A_462, %swap3A_463], %swap3A_466 {strides = array<i32>} : memref<128x128xf32, #tpu.memory_space<vmem>>, vector<1x16xf32>,
        %slice3A_467 = vector.extract_strided_slice %get3A_109 {offsets = [9], sizes = [1], strides = [1]} : vector<16xf32> to vector<1xf32>
        %squeeze3A_468 = vector.extract %slice3A_467[0] : f32 from vector<1xf32>
        %mul3A_469 = arith.constant 4 : i32
        %mul3A_470 = arith.muli %scan3A_105, %mul3A_469 : i32
        %add3A_471 = arith.constant 2 : i32
        %add3A_472 = arith.addi %mul3A_470, %add3A_471 : i32
        %get3A_473 = arith.index_cast %add3A_472 : i32 to index
        %get3A_474 = arith.constant 32 : index
        %get3A_475 = tpu.vector_load %arg12[%get3A_473, %get3A_474] {strides = array<i32>} : memref<128x128xf32, #tpu.memory_space<vmem>>, vector<1x16xf32>,
        %get3A_476 = vector.shape_cast %get3A_475 : vector<1x16xf32> to vector<16xf32>
        %mul3A_477 = vector.broadcast %squeeze3A_468 : f32 to vector<16xf32>
        %mul3A_478 = arith.mulf %get3A_476, %mul3A_477 : vector<16xf32>
        %mul3A_479 = arith.constant 4 : i32
        %mul3A_480 = arith.muli %scan3A_105, %mul3A_479 : i32
        %add3A_481 = arith.constant 2 : i32
        %add3A_482 = arith.addi %mul3A_480, %add3A_481 : i32
        %swap3A_483 = arith.index_cast %add3A_482 : i32 to index
        %swap3A_484 = arith.constant 32 : index
        %swap3A_485 = tpu.vector_load %arg12[%swap3A_483, %swap3A_484] {strides = array<i32>} : memref<128x128xf32, #tpu.memory_space<vmem>>, vector<1x16xf32>,
        %swap3A_486 = vector.shape_cast %swap3A_485 : vector<1x16xf32> to vector<16xf32>
        %swap3A_487 = vector.shape_cast %mul3A_478 : vector<16xf32> to vector<1x16xf32>
        tpu.vector_store %arg12[%swap3A_483, %swap3A_484], %swap3A_487 {strides = array<i32>} : memref<128x128xf32, #tpu.memory_space<vmem>>, vector<1x16xf32>,
        %mul3A_488 = arith.constant 4 : i32
        %mul3A_489 = arith.muli %scan3A_105, %mul3A_488 : i32
        %add3A_490 = arith.constant 2 : i32
        %add3A_491 = arith.addi %mul3A_489, %add3A_490 : i32
        %get3A_492 = arith.index_cast %add3A_491 : i32 to index
        %get3A_493 = arith.constant 48 : index
        %get3A_494 = tpu.vector_load %arg12[%get3A_492, %get3A_493] {strides = array<i32>} : memref<128x128xf32, #tpu.memory_space<vmem>>, vector<1x16xf32>,
        %get3A_495 = vector.shape_cast %get3A_494 : vector<1x16xf32> to vector<16xf32>
        %mul3A_496 = vector.broadcast %squeeze3A_468 : f32 to vector<16xf32>
        %mul3A_497 = arith.mulf %get3A_495, %mul3A_496 : vector<16xf32>
        %mul3A_498 = arith.constant 4 : i32
        %mul3A_499 = arith.muli %scan3A_105, %mul3A_498 : i32
        %add3A_500 = arith.constant 2 : i32
        %add3A_501 = arith.addi %mul3A_499, %add3A_500 : i32
        %swap3A_502 = arith.index_cast %add3A_501 : i32 to index
        %swap3A_503 = arith.constant 48 : index
        %swap3A_504 = tpu.vector_load %arg12[%swap3A_502, %swap3A_503] {strides = array<i32>} : memref<128x128xf32, #tpu.memory_space<vmem>>, vector<1x16xf32>,
        %swap3A_505 = vector.shape_cast %swap3A_504 : vector<1x16xf32> to vector<16xf32>
        %swap3A_506 = vector.shape_cast %mul3A_497 : vector<16xf32> to vector<1x16xf32>
        tpu.vector_store %arg12[%swap3A_502, %swap3A_503], %swap3A_506 {strides = array<i32>} : memref<128x128xf32, #tpu.memory_space<vmem>>, vector<1x16xf32>,
        %slice3A_507 = vector.extract_strided_slice %get3A_109 {offsets = [10], sizes = [1], strides = [1]} : vector<16xf32> to vector<1xf32>
        %squeeze3A_508 = vector.extract %slice3A_507[0] : f32 from vector<1xf32>
        %mul3A_509 = arith.constant 4 : i32
        %mul3A_510 = arith.muli %scan3A_105, %mul3A_509 : i32
        %add3A_511 = arith.constant 2 : i32
        %add3A_512 = arith.addi %mul3A_510, %add3A_511 : i32
        %get3A_513 = arith.index_cast %add3A_512 : i32 to index
        %get3A_514 = arith.constant 64 : index
        %get3A_515 = tpu.vector_load %arg12[%get3A_513, %get3A_514] {strides = array<i32>} : memref<128x128xf32, #tpu.memory_space<vmem>>, vector<1x16xf32>,
        %get3A_516 = vector.shape_cast %get3A_515 : vector<1x16xf32> to vector<16xf32>
        %mul3A_517 = vector.broadcast %squeeze3A_508 : f32 to vector<16xf32>
        %mul3A_518 = arith.mulf %get3A_516, %mul3A_517 : vector<16xf32>
        %mul3A_519 = arith.constant 4 : i32
        %mul3A_520 = arith.muli %scan3A_105, %mul3A_519 : i32
        %add3A_521 = arith.constant 2 : i32
        %add3A_522 = arith.addi %mul3A_520, %add3A_521 : i32
        %swap3A_523 = arith.index_cast %add3A_522 : i32 to index
        %swap3A_524 = arith.constant 64 : index
        %swap3A_525 = tpu.vector_load %arg12[%swap3A_523, %swap3A_524] {strides = array<i32>} : memref<128x128xf32, #tpu.memory_space<vmem>>, vector<1x16xf32>,
        %swap3A_526 = vector.shape_cast %swap3A_525 : vector<1x16xf32> to vector<16xf32>
        %swap3A_527 = vector.shape_cast %mul3A_518 : vector<16xf32> to vector<1x16xf32>
        tpu.vector_store %arg12[%swap3A_523, %swap3A_524], %swap3A_527 {strides = array<i32>} : memref<128x128xf32, #tpu.memory_space<vmem>>, vector<1x16xf32>,
        %mul3A_528 = arith.constant 4 : i32
        %mul3A_529 = arith.muli %scan3A_105, %mul3A_528 : i32
        %add3A_530 = arith.constant 2 : i32
        %add3A_531 = arith.addi %mul3A_529, %add3A_530 : i32
        %get3A_532 = arith.index_cast %add3A_531 : i32 to index
        %get3A_533 = arith.constant 80 : index
        %get3A_534 = tpu.vector_load %arg12[%get3A_532, %get3A_533] {strides = array<i32>} : memref<128x128xf32, #tpu.memory_space<vmem>>, vector<1x16xf32>,
        %get3A_535 = vector.shape_cast %get3A_534 : vector<1x16xf32> to vector<16xf32>
        %mul3A_536 = vector.broadcast %squeeze3A_508 : f32 to vector<16xf32>
        %mul3A_537 = arith.mulf %get3A_535, %mul3A_536 : vector<16xf32>
        %mul3A_538 = arith.constant 4 : i32
        %mul3A_539 = arith.muli %scan3A_105, %mul3A_538 : i32
        %add3A_540 = arith.constant 2 : i32
        %add3A_541 = arith.addi %mul3A_539, %add3A_540 : i32
        %swap3A_542 = arith.index_cast %add3A_541 : i32 to index
        %swap3A_543 = arith.constant 80 : index
        %swap3A_544 = tpu.vector_load %arg12[%swap3A_542, %swap3A_543] {strides = array<i32>} : memref<128x128xf32, #tpu.memory_space<vmem>>, vector<1x16xf32>,
        %swap3A_545 = vector.shape_cast %swap3A_544 : vector<1x16xf32> to vector<16xf32>
        %swap3A_546 = vector.shape_cast %mul3A_537 : vector<16xf32> to vector<1x16xf32>
        tpu.vector_store %arg12[%swap3A_542, %swap3A_543], %swap3A_546 {strides = array<i32>} : memref<128x128xf32, #tpu.memory_space<vmem>>, vector<1x16xf32>,
        %slice3A_547 = vector.extract_strided_slice %get3A_109 {offsets = [11], sizes = [1], strides = [1]} : vector<16xf32> to vector<1xf32>
        %squeeze3A_548 = vector.extract %slice3A_547[0] : f32 from vector<1xf32>
        %mul3A_549 = arith.constant 4 : i32
        %mul3A_550 = arith.muli %scan3A_105, %mul3A_549 : i32
        %add3A_551 = arith.constant 2 : i32
        %add3A_552 = arith.addi %mul3A_550, %add3A_551 : i32
        %get3A_553 = arith.index_cast %add3A_552 : i32 to index
        %get3A_554 = arith.constant 96 : index
        %get3A_555 = tpu.vector_load %arg12[%get3A_553, %get3A_554] {strides = array<i32>} : memref<128x128xf32, #tpu.memory_space<vmem>>, vector<1x16xf32>,
        %get3A_556 = vector.shape_cast %get3A_555 : vector<1x16xf32> to vector<16xf32>
        %mul3A_557 = vector.broadcast %squeeze3A_548 : f32 to vector<16xf32>
        %mul3A_558 = arith.mulf %get3A_556, %mul3A_557 : vector<16xf32>
        %mul3A_559 = arith.constant 4 : i32
        %mul3A_560 = arith.muli %scan3A_105, %mul3A_559 : i32
        %add3A_561 = arith.constant 2 : i32
        %add3A_562 = arith.addi %mul3A_560, %add3A_561 : i32
        %swap3A_563 = arith.index_cast %add3A_562 : i32 to index
        %swap3A_564 = arith.constant 96 : index
        %swap3A_565 = tpu.vector_load %arg12[%swap3A_563, %swap3A_564] {strides = array<i32>} : memref<128x128xf32, #tpu.memory_space<vmem>>, vector<1x16xf32>,
        %swap3A_566 = vector.shape_cast %swap3A_565 : vector<1x16xf32> to vector<16xf32>
        %swap3A_567 = vector.shape_cast %mul3A_558 : vector<16xf32> to vector<1x16xf32>
        tpu.vector_store %arg12[%swap3A_563, %swap3A_564], %swap3A_567 {strides = array<i32>} : memref<128x128xf32, #tpu.memory_space<vmem>>, vector<1x16xf32>,
        %mul3A_568 = arith.constant 4 : i32
        %mul3A_569 = arith.muli %scan3A_105, %mul3A_568 : i32
        %add3A_570 = arith.constant 2 : i32
        %add3A_571 = arith.addi %mul3A_569, %add3A_570 : i32
        %get3A_572 = arith.index_cast %add3A_571 : i32 to index
        %get3A_573 = arith.constant 112 : index
        %get3A_574 = tpu.vector_load %arg12[%get3A_572, %get3A_573] {strides = array<i32>} : memref<128x128xf32, #tpu.memory_space<vmem>>, vector<1x16xf32>,
        %get3A_575 = vector.shape_cast %get3A_574 : vector<1x16xf32> to vector<16xf32>
        %mul3A_576 = vector.broadcast %squeeze3A_548 : f32 to vector<16xf32>
        %mul3A_577 = arith.mulf %get3A_575, %mul3A_576 : vector<16xf32>
        %mul3A_578 = arith.constant 4 : i32
        %mul3A_579 = arith.muli %scan3A_105, %mul3A_578 : i32
        %add3A_580 = arith.constant 2 : i32
        %add3A_581 = arith.addi %mul3A_579, %add3A_580 : i32
        %swap3A_582 = arith.index_cast %add3A_581 : i32 to index
        %swap3A_583 = arith.constant 112 : index
        %swap3A_584 = tpu.vector_load %arg12[%swap3A_582, %swap3A_583] {strides = array<i32>} : memref<128x128xf32, #tpu.memory_space<vmem>>, vector<1x16xf32>,
        %swap3A_585 = vector.shape_cast %swap3A_584 : vector<1x16xf32> to vector<16xf32>
        %swap3A_586 = vector.shape_cast %mul3A_577 : vector<16xf32> to vector<1x16xf32>
        tpu.vector_store %arg12[%swap3A_582, %swap3A_583], %swap3A_586 {strides = array<i32>} : memref<128x128xf32, #tpu.memory_space<vmem>>, vector<1x16xf32>,
        %slice3A_587 = vector.extract_strided_slice %get3A_109 {offsets = [12], sizes = [1], strides = [1]} : vector<16xf32> to vector<1xf32>
        %squeeze3A_588 = vector.extract %slice3A_587[0] : f32 from vector<1xf32>
        %mul3A_589 = arith.constant 4 : i32
        %mul3A_590 = arith.muli %scan3A_105, %mul3A_589 : i32
        %add3A_591 = arith.constant 3 : i32
        %add3A_592 = arith.addi %mul3A_590, %add3A_591 : i32
        %get3A_593 = arith.index_cast %add3A_592 : i32 to index
        %get3A_594 = arith.constant 0 : index
        %get3A_595 = tpu.vector_load %arg12[%get3A_593, %get3A_594] {strides = array<i32>} : memref<128x128xf32, #tpu.memory_space<vmem>>, vector<1x16xf32>,
        %get3A_596 = vector.shape_cast %get3A_595 : vector<1x16xf32> to vector<16xf32>
        %mul3A_597 = vector.broadcast %squeeze3A_588 : f32 to vector<16xf32>
        %mul3A_598 = arith.mulf %get3A_596, %mul3A_597 : vector<16xf32>
        %mul3A_599 = arith.constant 4 : i32
        %mul3A_600 = arith.muli %scan3A_105, %mul3A_599 : i32
        %add3A_601 = arith.constant 3 : i32
        %add3A_602 = arith.addi %mul3A_600, %add3A_601 : i32
        %swap3A_603 = arith.index_cast %add3A_602 : i32 to index
        %swap3A_604 = arith.constant 0 : index
        %swap3A_605 = tpu.vector_load %arg12[%swap3A_603, %swap3A_604] {strides = array<i32>} : memref<128x128xf32, #tpu.memory_space<vmem>>, vector<1x16xf32>,
        %swap3A_606 = vector.shape_cast %swap3A_605 : vector<1x16xf32> to vector<16xf32>
        %swap3A_607 = vector.shape_cast %mul3A_598 : vector<16xf32> to vector<1x16xf32>
        tpu.vector_store %arg12[%swap3A_603, %swap3A_604], %swap3A_607 {strides = array<i32>} : memref<128x128xf32, #tpu.memory_space<vmem>>, vector<1x16xf32>,
        %mul3A_608 = arith.constant 4 : i32
        %mul3A_609 = arith.muli %scan3A_105, %mul3A_608 : i32
        %add3A_610 = arith.constant 3 : i32
        %add3A_611 = arith.addi %mul3A_609, %add3A_610 : i32
        %get3A_612 = arith.index_cast %add3A_611 : i32 to index
        %get3A_613 = arith.constant 16 : index
        %get3A_614 = tpu.vector_load %arg12[%get3A_612, %get3A_613] {strides = array<i32>} : memref<128x128xf32, #tpu.memory_space<vmem>>, vector<1x16xf32>,
        %get3A_615 = vector.shape_cast %get3A_614 : vector<1x16xf32> to vector<16xf32>
        %mul3A_616 = vector.broadcast %squeeze3A_588 : f32 to vector<16xf32>
        %mul3A_617 = arith.mulf %get3A_615, %mul3A_616 : vector<16xf32>
        %mul3A_618 = arith.constant 4 : i32
        %mul3A_619 = arith.muli %scan3A_105, %mul3A_618 : i32
        %add3A_620 = arith.constant 3 : i32
        %add3A_621 = arith.addi %mul3A_619, %add3A_620 : i32
        %swap3A_622 = arith.index_cast %add3A_621 : i32 to index
        %swap3A_623 = arith.constant 16 : index
        %swap3A_624 = tpu.vector_load %arg12[%swap3A_622, %swap3A_623] {strides = array<i32>} : memref<128x128xf32, #tpu.memory_space<vmem>>, vector<1x16xf32>,
        %swap3A_625 = vector.shape_cast %swap3A_624 : vector<1x16xf32> to vector<16xf32>
        %swap3A_626 = vector.shape_cast %mul3A_617 : vector<16xf32> to vector<1x16xf32>
        tpu.vector_store %arg12[%swap3A_622, %swap3A_623], %swap3A_626 {strides = array<i32>} : memref<128x128xf32, #tpu.memory_space<vmem>>, vector<1x16xf32>,
        %slice3A_627 = vector.extract_strided_slice %get3A_109 {offsets = [13], sizes = [1], strides = [1]} : vector<16xf32> to vector<1xf32>
        %squeeze3A_628 = vector.extract %slice3A_627[0] : f32 from vector<1xf32>
        %mul3A_629 = arith.constant 4 : i32
        %mul3A_630 = arith.muli %scan3A_105, %mul3A_629 : i32
        %add3A_631 = arith.constant 3 : i32
        %add3A_632 = arith.addi %mul3A_630, %add3A_631 : i32
        %get3A_633 = arith.index_cast %add3A_632 : i32 to index
        %get3A_634 = arith.constant 32 : index
        %get3A_635 = tpu.vector_load %arg12[%get3A_633, %get3A_634] {strides = array<i32>} : memref<128x128xf32, #tpu.memory_space<vmem>>, vector<1x16xf32>,
        %get3A_636 = vector.shape_cast %get3A_635 : vector<1x16xf32> to vector<16xf32>
        %mul3A_637 = vector.broadcast %squeeze3A_628 : f32 to vector<16xf32>
        %mul3A_638 = arith.mulf %get3A_636, %mul3A_637 : vector<16xf32>
        %mul3A_639 = arith.constant 4 : i32
        %mul3A_640 = arith.muli %scan3A_105, %mul3A_639 : i32
        %add3A_641 = arith.constant 3 : i32
        %add3A_642 = arith.addi %mul3A_640, %add3A_641 : i32
        %swap3A_643 = arith.index_cast %add3A_642 : i32 to index
        %swap3A_644 = arith.constant 32 : index
        %swap3A_645 = tpu.vector_load %arg12[%swap3A_643, %swap3A_644] {strides = array<i32>} : memref<128x128xf32, #tpu.memory_space<vmem>>, vector<1x16xf32>,
        %swap3A_646 = vector.shape_cast %swap3A_645 : vector<1x16xf32> to vector<16xf32>
        %swap3A_647 = vector.shape_cast %mul3A_638 : vector<16xf32> to vector<1x16xf32>
        tpu.vector_store %arg12[%swap3A_643, %swap3A_644], %swap3A_647 {strides = array<i32>} : memref<128x128xf32, #tpu.memory_space<vmem>>, vector<1x16xf32>,
        %mul3A_648 = arith.constant 4 : i32
        %mul3A_649 = arith.muli %scan3A_105, %mul3A_648 : i32
        %add3A_650 = arith.constant 3 : i32
        %add3A_651 = arith.addi %mul3A_649, %add3A_650 : i32
        %get3A_652 = arith.index_cast %add3A_651 : i32 to index
        %get3A_653 = arith.constant 48 : index
        %get3A_654 = tpu.vector_load %arg12[%get3A_652, %get3A_653] {strides = array<i32>} : memref<128x128xf32, #tpu.memory_space<vmem>>, vector<1x16xf32>,
        %get3A_655 = vector.shape_cast %get3A_654 : vector<1x16xf32> to vector<16xf32>
        %mul3A_656 = vector.broadcast %squeeze3A_628 : f32 to vector<16xf32>
        %mul3A_657 = arith.mulf %get3A_655, %mul3A_656 : vector<16xf32>
        %mul3A_658 = arith.constant 4 : i32
        %mul3A_659 = arith.muli %scan3A_105, %mul3A_658 : i32
        %add3A_660 = arith.constant 3 : i32
        %add3A_661 = arith.addi %mul3A_659, %add3A_660 : i32
        %swap3A_662 = arith.index_cast %add3A_661 : i32 to index
        %swap3A_663 = arith.constant 48 : index
        %swap3A_664 = tpu.vector_load %arg12[%swap3A_662, %swap3A_663] {strides = array<i32>} : memref<128x128xf32, #tpu.memory_space<vmem>>, vector<1x16xf32>,
        %swap3A_665 = vector.shape_cast %swap3A_664 : vector<1x16xf32> to vector<16xf32>
        %swap3A_666 = vector.shape_cast %mul3A_657 : vector<16xf32> to vector<1x16xf32>
        tpu.vector_store %arg12[%swap3A_662, %swap3A_663], %swap3A_666 {strides = array<i32>} : memref<128x128xf32, #tpu.memory_space<vmem>>, vector<1x16xf32>,
        %slice3A_667 = vector.extract_strided_slice %get3A_109 {offsets = [14], sizes = [1], strides = [1]} : vector<16xf32> to vector<1xf32>
        %squeeze3A_668 = vector.extract %slice3A_667[0] : f32 from vector<1xf32>
        %mul3A_669 = arith.constant 4 : i32
        %mul3A_670 = arith.muli %scan3A_105, %mul3A_669 : i32
        %add3A_671 = arith.constant 3 : i32
        %add3A_672 = arith.addi %mul3A_670, %add3A_671 : i32
        %get3A_673 = arith.index_cast %add3A_672 : i32 to index
        %get3A_674 = arith.constant 64 : index
        %get3A_675 = tpu.vector_load %arg12[%get3A_673, %get3A_674] {strides = array<i32>} : memref<128x128xf32, #tpu.memory_space<vmem>>, vector<1x16xf32>,
        %get3A_676 = vector.shape_cast %get3A_675 : vector<1x16xf32> to vector<16xf32>
        %mul3A_677 = vector.broadcast %squeeze3A_668 : f32 to vector<16xf32>
        %mul3A_678 = arith.mulf %get3A_676, %mul3A_677 : vector<16xf32>
        %mul3A_679 = arith.constant 4 : i32
        %mul3A_680 = arith.muli %scan3A_105, %mul3A_679 : i32
        %add3A_681 = arith.constant 3 : i32
        %add3A_682 = arith.addi %mul3A_680, %add3A_681 : i32
        %swap3A_683 = arith.index_cast %add3A_682 : i32 to index
        %swap3A_684 = arith.constant 64 : index
        %swap3A_685 = tpu.vector_load %arg12[%swap3A_683, %swap3A_684] {strides = array<i32>} : memref<128x128xf32, #tpu.memory_space<vmem>>, vector<1x16xf32>,
        %swap3A_686 = vector.shape_cast %swap3A_685 : vector<1x16xf32> to vector<16xf32>
        %swap3A_687 = vector.shape_cast %mul3A_678 : vector<16xf32> to vector<1x16xf32>
        tpu.vector_store %arg12[%swap3A_683, %swap3A_684], %swap3A_687 {strides = array<i32>} : memref<128x128xf32, #tpu.memory_space<vmem>>, vector<1x16xf32>,
        %mul3A_688 = arith.constant 4 : i32
        %mul3A_689 = arith.muli %scan3A_105, %mul3A_688 : i32
        %add3A_690 = arith.constant 3 : i32
        %add3A_691 = arith.addi %mul3A_689, %add3A_690 : i32
        %get3A_692 = arith.index_cast %add3A_691 : i32 to index
        %get3A_693 = arith.constant 80 : index
        %get3A_694 = tpu.vector_load %arg12[%get3A_692, %get3A_693] {strides = array<i32>} : memref<128x128xf32, #tpu.memory_space<vmem>>, vector<1x16xf32>,
        %get3A_695 = vector.shape_cast %get3A_694 : vector<1x16xf32> to vector<16xf32>
        %mul3A_696 = vector.broadcast %squeeze3A_668 : f32 to vector<16xf32>
        %mul3A_697 = arith.mulf %get3A_695, %mul3A_696 : vector<16xf32>
        %mul3A_698 = arith.constant 4 : i32
        %mul3A_699 = arith.muli %scan3A_105, %mul3A_698 : i32
        %add3A_700 = arith.constant 3 : i32
        %add3A_701 = arith.addi %mul3A_699, %add3A_700 : i32
        %swap3A_702 = arith.index_cast %add3A_701 : i32 to index
        %swap3A_703 = arith.constant 80 : index
        %swap3A_704 = tpu.vector_load %arg12[%swap3A_702, %swap3A_703] {strides = array<i32>} : memref<128x128xf32, #tpu.memory_space<vmem>>, vector<1x16xf32>,
        %swap3A_705 = vector.shape_cast %swap3A_704 : vector<1x16xf32> to vector<16xf32>
        %swap3A_706 = vector.shape_cast %mul3A_697 : vector<16xf32> to vector<1x16xf32>
        tpu.vector_store %arg12[%swap3A_702, %swap3A_703], %swap3A_706 {strides = array<i32>} : memref<128x128xf32, #tpu.memory_space<vmem>>, vector<1x16xf32>,
        %slice3A_707 = vector.extract_strided_slice %get3A_109 {offsets = [15], sizes = [1], strides = [1]} : vector<16xf32> to vector<1xf32>
        %squeeze3A_708 = vector.extract %slice3A_707[0] : f32 from vector<1xf32>
        %mul3A_709 = arith.constant 4 : i32
        %mul3A_710 = arith.muli %scan3A_105, %mul3A_709 : i32
        %add3A_711 = arith.constant 3 : i32
        %add3A_712 = arith.addi %mul3A_710, %add3A_711 : i32
        %get3A_713 = arith.index_cast %add3A_712 : i32 to index
        %get3A_714 = arith.constant 96 : index
        %get3A_715 = tpu.vector_load %arg12[%get3A_713, %get3A_714] {strides = array<i32>} : memref<128x128xf32, #tpu.memory_space<vmem>>, vector<1x16xf32>,
        %get3A_716 = vector.shape_cast %get3A_715 : vector<1x16xf32> to vector<16xf32>
        %mul3A_717 = vector.broadcast %squeeze3A_708 : f32 to vector<16xf32>
        %mul3A_718 = arith.mulf %get3A_716, %mul3A_717 : vector<16xf32>
        %mul3A_719 = arith.constant 4 : i32
        %mul3A_720 = arith.muli %scan3A_105, %mul3A_719 : i32
        %add3A_721 = arith.constant 3 : i32
        %add3A_722 = arith.addi %mul3A_720, %add3A_721 : i32
        %swap3A_723 = arith.index_cast %add3A_722 : i32 to index
        %swap3A_724 = arith.constant 96 : index
        %swap3A_725 = tpu.vector_load %arg12[%swap3A_723, %swap3A_724] {strides = array<i32>} : memref<128x128xf32, #tpu.memory_space<vmem>>, vector<1x16xf32>,
        %swap3A_726 = vector.shape_cast %swap3A_725 : vector<1x16xf32> to vector<16xf32>
        %swap3A_727 = vector.shape_cast %mul3A_718 : vector<16xf32> to vector<1x16xf32>
        tpu.vector_store %arg12[%swap3A_723, %swap3A_724], %swap3A_727 {strides = array<i32>} : memref<128x128xf32, #tpu.memory_space<vmem>>, vector<1x16xf32>,
        %mul3A_728 = arith.constant 4 : i32
        %mul3A_729 = arith.muli %scan3A_105, %mul3A_728 : i32
        %add3A_730 = arith.constant 3 : i32
        %add3A_731 = arith.addi %mul3A_729, %add3A_730 : i32
        %get3A_732 = arith.index_cast %add3A_731 : i32 to index
        %get3A_733 = arith.constant 112 : index
        %get3A_734 = tpu.vector_load %arg12[%get3A_732, %get3A_733] {strides = array<i32>} : memref<128x128xf32, #tpu.memory_space<vmem>>, vector<1x16xf32>,
        %get3A_735 = vector.shape_cast %get3A_734 : vector<1x16xf32> to vector<16xf32>
        %mul3A_736 = vector.broadcast %squeeze3A_708 : f32 to vector<16xf32>
        %mul3A_737 = arith.mulf %get3A_735, %mul3A_736 : vector<16xf32>
        %mul3A_738 = arith.constant 4 : i32
        %mul3A_739 = arith.muli %scan3A_105, %mul3A_738 : i32
        %add3A_740 = arith.constant 3 : i32
        %add3A_741 = arith.addi %mul3A_739, %add3A_740 : i32
        %swap3A_742 = arith.index_cast %add3A_741 : i32 to index
        %swap3A_743 = arith.constant 112 : index
        %swap3A_744 = tpu.vector_load %arg12[%swap3A_742, %swap3A_743] {strides = array<i32>} : memref<128x128xf32, #tpu.memory_space<vmem>>, vector<1x16xf32>,
        %swap3A_745 = vector.shape_cast %swap3A_744 : vector<1x16xf32> to vector<16xf32>
        %swap3A_746 = vector.shape_cast %mul3A_737 : vector<16xf32> to vector<1x16xf32>
        tpu.vector_store %arg12[%swap3A_742, %swap3A_743], %swap3A_746 {strides = array<i32>} : memref<128x128xf32, #tpu.memory_space<vmem>>, vector<1x16xf32>,
      }
      %scan3A_104 = arith.constant 32 : i32
      "tpu.region"() ({
        %run_scoped3A = tpu.sem_alloc : memref<!tpu.dma_semaphore, #tpu.memory_space<semaphore_mem>>
        %dma_start3A_105 = arith.constant 0 : i32
        %dma_start3A_106 = arith.constant 0 : i32
        %dma_start3A_107 = tpu.memref_slice %arg12[%dma_start3A_105, %dma_start3A_106] : memref<128x128xf32, #tpu.memory_space<vmem>> -> memref<128x128xf32, #tpu.memory_space<vmem>>
        %dma_start3A_108 = arith.constant 0 : i32
        %dma_start3A_109 = arith.constant 0 : i32
        %dma_start3A_110 = tpu.memref_slice %arg7[%dma_start3A_108, %dma_start3A_109] : memref<10240x128xf32, #tpu.memory_space<vmem_shared>> -> memref<10240x128xf32, #tpu.memory_space<vmem_shared>>
        tpu.enqueue_indirect_dma source(%dma_start3A_107 : memref<128x128xf32, #tpu.memory_space<vmem>>) target(%dma_start3A_110 : memref<10240x128xf32, #tpu.memory_space<vmem_shared>>) offsets(%arg9 : memref<128xi32, #tpu.memory_space<vmem>>) semaphore(%run_scoped3A : memref<!tpu.dma_semaphore, #tpu.memory_space<semaphore_mem>>) {add = true}
        %dma_wait3A_111 = arith.constant 0 : i32
        %dma_wait3A_112 = arith.constant 0 : i32
        %dma_wait3A_113 = tpu.memref_slice %arg12[%dma_wait3A_111, %dma_wait3A_112] : memref<128x128xf32, #tpu.memory_space<vmem>> -> memref<128x128xf32, #tpu.memory_space<vmem>>
        %dma_wait3A_114 = arith.constant 0 : i32
        %dma_wait3A_115 = arith.constant 0 : i32
        %dma_wait3A_116 = tpu.memref_slice %arg7[%dma_wait3A_114, %dma_wait3A_115] : memref<10240x128xf32, #tpu.memory_space<vmem_shared>> -> memref<10240x128xf32, #tpu.memory_space<vmem_shared>>
        tpu.wait_indirect_dma semaphore(%run_scoped3A : memref<!tpu.dma_semaphore, #tpu.memory_space<semaphore_mem>>) src(%dma_wait3A_113 : memref<128x128xf32, #tpu.memory_space<vmem>>) dst(%dma_wait3A_116 : memref<10240x128xf32, #tpu.memory_space<vmem_shared>>)
        tpu.yield
      }) : () -> ()
    }
    %scan3A_31 = arith.constant 78 : i32
    %mul3A_32 = arith.constant 10000 : i32
    %mul3A_33 = arith.muli %add3A, %mul3A_32 : i32
    %add3A_34 = arith.constant 9984 : i32
    %add3A_35 = arith.addi %mul3A_33, %add3A_34 : i32
    "tpu.region"() ({
      %run_scoped3A = tpu.sem_alloc : memref<!tpu.dma_semaphore, #tpu.memory_space<semaphore_mem>>
      %dma_start3A_79 = arith.constant 0 : i32
      %dma_start3A_80 = tpu.memref_slice %arg8[%dma_start3A_79] : memref<128xi32, #tpu.memory_space<vmem>> -> memref<16xi32, #tpu.memory_space<vmem>>
      %dma_start3A_81 = tpu.memref_slice %arg3[%add3A_35] : memref<320000xi32, #tpu.memory_space<hbm>> -> memref<16xi32, #tpu.memory_space<hbm>>
      %dma_start3A_82 = arith.constant 0 : i32
      %dma_start3A_83 = tpu.memref_slice %arg8[%dma_start3A_82] : memref<128xi32, #tpu.memory_space<vmem>> -> memref<16xi32, #tpu.memory_space<vmem>>
      %dma_start3A_84 = tpu.memref_slice %arg3[%add3A_35] : memref<320000xi32, #tpu.memory_space<hbm>> -> memref<16xi32, #tpu.memory_space<hbm>>
      tpu.enqueue_dma source(%dma_start3A_84 : memref<16xi32, #tpu.memory_space<hbm>>) target(%dma_start3A_83 : memref<16xi32, #tpu.memory_space<vmem>>) target_semaphore(%run_scoped3A : memref<!tpu.dma_semaphore, #tpu.memory_space<semaphore_mem>>)
      %dma_wait3A_85 = arith.constant 0 : i32
      %dma_wait3A_86 = tpu.memref_slice %arg8[%dma_wait3A_85] : memref<128xi32, #tpu.memory_space<vmem>> -> memref<16xi32, #tpu.memory_space<vmem>>
      %dma_wait3A_87 = tpu.memref_slice %arg3[%add3A_35] : memref<320000xi32, #tpu.memory_space<hbm>> -> memref<16xi32, #tpu.memory_space<hbm>>
      %dma_wait3A_88 = arith.constant 0 : i32
      %dma_wait3A_89 = tpu.memref_slice %arg8[%dma_wait3A_88] : memref<128xi32, #tpu.memory_space<vmem>> -> memref<16xi32, #tpu.memory_space<vmem>>
      %dma_wait3A_90 = tpu.memref_slice %arg3[%add3A_35] : memref<320000xi32, #tpu.memory_space<hbm>> -> memref<16xi32, #tpu.memory_space<hbm>>
      tpu.wait_dma2 semaphore(%run_scoped3A : memref<!tpu.dma_semaphore, #tpu.memory_space<semaphore_mem>>) src(%dma_wait3A_90 : memref<16xi32, #tpu.memory_space<hbm>>) dst(%dma_wait3A_89 : memref<16xi32, #tpu.memory_space<vmem>>)
      tpu.yield
    }) : () -> ()
    "tpu.region"() ({
      %run_scoped3A = tpu.sem_alloc : memref<!tpu.dma_semaphore, #tpu.memory_space<semaphore_mem>>
      %dma_start3A_79 = tpu.memref_slice %arg4[%add3A_35] : memref<320000xi32, #tpu.memory_space<hbm>> -> memref<16xi32, #tpu.memory_space<hbm>>
      %dma_start3A_80 = tpu.memref_slice %arg4[%add3A_35] : memref<320000xi32, #tpu.memory_space<hbm>> -> memref<16xi32, #tpu.memory_space<hbm>>
      tpu.enqueue_dma source(%dma_start3A_80 : memref<16xi32, #tpu.memory_space<hbm>>) target(%arg10 : memref<16xi32, #tpu.memory_space<vmem>>) target_semaphore(%run_scoped3A : memref<!tpu.dma_semaphore, #tpu.memory_space<semaphore_mem>>)
      %dma_wait3A_81 = tpu.memref_slice %arg4[%add3A_35] : memref<320000xi32, #tpu.memory_space<hbm>> -> memref<16xi32, #tpu.memory_space<hbm>>
      %dma_wait3A_82 = tpu.memref_slice %arg4[%add3A_35] : memref<320000xi32, #tpu.memory_space<hbm>> -> memref<16xi32, #tpu.memory_space<hbm>>
      tpu.wait_dma2 semaphore(%run_scoped3A : memref<!tpu.dma_semaphore, #tpu.memory_space<semaphore_mem>>) src(%dma_wait3A_82 : memref<16xi32, #tpu.memory_space<hbm>>) dst(%arg10 : memref<16xi32, #tpu.memory_space<vmem>>)
      tpu.yield
    }) : () -> ()
    %mul3A_36 = arith.constant 4 : i32
    %mul3A_37 = arith.muli %add3A_35, %mul3A_36 : i32
    "tpu.region"() ({
      %run_scoped3A = tpu.sem_alloc : memref<!tpu.dma_semaphore, #tpu.memory_space<semaphore_mem>>
      %dma_start3A_79 = arith.constant 0 : i32
      %dma_start3A_80 = tpu.memref_slice %arg11[%dma_start3A_79] : memref<512xf32, #tpu.memory_space<vmem>> -> memref<64xf32, #tpu.memory_space<vmem>>
      %dma_start3A_81 = tpu.memref_slice %arg5[%mul3A_37] : memref<1280000xf32, #tpu.memory_space<hbm>> -> memref<64xf32, #tpu.memory_space<hbm>>
      %dma_start3A_82 = arith.constant 0 : i32
      %dma_start3A_83 = tpu.memref_slice %arg11[%dma_start3A_82] : memref<512xf32, #tpu.memory_space<vmem>> -> memref<64xf32, #tpu.memory_space<vmem>>
      %dma_start3A_84 = tpu.memref_slice %arg5[%mul3A_37] : memref<1280000xf32, #tpu.memory_space<hbm>> -> memref<64xf32, #tpu.memory_space<hbm>>
      tpu.enqueue_dma source(%dma_start3A_84 : memref<64xf32, #tpu.memory_space<hbm>>) target(%dma_start3A_83 : memref<64xf32, #tpu.memory_space<vmem>>) target_semaphore(%run_scoped3A : memref<!tpu.dma_semaphore, #tpu.memory_space<semaphore_mem>>)
      %dma_wait3A_85 = arith.constant 0 : i32
      %dma_wait3A_86 = tpu.memref_slice %arg11[%dma_wait3A_85] : memref<512xf32, #tpu.memory_space<vmem>> -> memref<64xf32, #tpu.memory_space<vmem>>
      %dma_wait3A_87 = tpu.memref_slice %arg5[%mul3A_37] : memref<1280000xf32, #tpu.memory_space<hbm>> -> memref<64xf32, #tpu.memory_space<hbm>>
      %dma_wait3A_88 = arith.constant 0 : i32
      %dma_wait3A_89 = tpu.memref_slice %arg11[%dma_wait3A_88] : memref<512xf32, #tpu.memory_space<vmem>> -> memref<64xf32, #tpu.memory_space<vmem>>
      %dma_wait3A_90 = tpu.memref_slice %arg5[%mul3A_37] : memref<1280000xf32, #tpu.memory_space<hbm>> -> memref<64xf32, #tpu.memory_space<hbm>>
      tpu.wait_dma2 semaphore(%run_scoped3A : memref<!tpu.dma_semaphore, #tpu.memory_space<semaphore_mem>>) src(%dma_wait3A_90 : memref<64xf32, #tpu.memory_space<hbm>>) dst(%dma_wait3A_89 : memref<64xf32, #tpu.memory_space<vmem>>)
      tpu.yield
    }) : () -> ()
    %dma_start3A = arith.constant 0 : i32
    %dma_start3A_38 = arith.constant 0 : i32
    %dma_start3A_39 = tpu.memref_slice %arg12[%dma_start3A, %dma_start3A_38] : memref<128x128xf32, #tpu.memory_space<vmem>> -> memref<16x128xf32, #tpu.memory_space<vmem>>
    %dma_start3A_40 = arith.constant 0 : i32
    %dma_start3A_41 = tpu.memref_slice %arg8[%dma_start3A_40] : memref<128xi32, #tpu.memory_space<vmem>> -> memref<16xi32, #tpu.memory_space<vmem>>
    %dma_start3A_42 = arith.constant 0 : i32
    %dma_start3A_43 = arith.constant 0 : i32
    %dma_start3A_44 = tpu.memref_slice %arg2[%dma_start3A_42, %dma_start3A_43] : memref<10000x128xf32, #tpu.memory_space<hbm>> -> memref<10000x128xf32, #tpu.memory_space<hbm>>
    tpu.enqueue_indirect_dma source(%dma_start3A_44 : memref<10000x128xf32, #tpu.memory_space<hbm>>) target(%dma_start3A_39 : memref<16x128xf32, #tpu.memory_space<vmem>>) offsets(%dma_start3A_41 : memref<16xi32, #tpu.memory_space<vmem>>) semaphore(%arg13 : memref<!tpu.dma_semaphore, #tpu.memory_space<semaphore_mem>>)
    %dma_wait3A = arith.constant 0 : i32
    %dma_wait3A_45 = arith.constant 0 : i32
    %dma_wait3A_46 = tpu.memref_slice %arg12[%dma_wait3A, %dma_wait3A_45] : memref<128x128xf32, #tpu.memory_space<vmem>> -> memref<16x128xf32, #tpu.memory_space<vmem>>
    %dma_wait3A_47 = arith.constant 0 : i32
    %dma_wait3A_48 = tpu.memref_slice %arg8[%dma_wait3A_47] : memref<128xi32, #tpu.memory_space<vmem>> -> memref<16xi32, #tpu.memory_space<vmem>>
    %dma_wait3A_49 = arith.constant 0 : i32
    %dma_wait3A_50 = arith.constant 0 : i32
    %dma_wait3A_51 = tpu.memref_slice %arg2[%dma_wait3A_49, %dma_wait3A_50] : memref<10000x128xf32, #tpu.memory_space<hbm>> -> memref<10000x128xf32, #tpu.memory_space<hbm>>
    tpu.wait_indirect_dma semaphore(%arg13 : memref<!tpu.dma_semaphore, #tpu.memory_space<semaphore_mem>>) src(%dma_wait3A_51 : memref<10000x128xf32, #tpu.memory_space<hbm>>) dst(%dma_wait3A_46 : memref<16x128xf32, #tpu.memory_space<vmem>>)
    %scan3A_52 = arith.constant 0 : i32
    %scan3A_53 = arith.constant 0 : i32
    %scan3A_54 = arith.constant 4 : i32
    %scan3A_55 = arith.addi %scan3A_53, %scan3A_54 : i32
    %scan3A_56 = arith.constant 1 : i32
    scf.for %scan3A_79 = %scan3A_53 to %scan3A_55 step %scan3A_56  : i32 {
      %mul3A_80 = arith.constant 16 : i32
      %mul3A_81 = arith.muli %scan3A_79, %mul3A_80 : i32
      %get3A = arith.index_cast %mul3A_81 : i32 to index
      %get3A_82 = tpu.vector_load %arg11[%get3A] {strides = array<i32>} : memref<512xf32, #tpu.memory_space<vmem>>, vector<16xf32>,
      %get3A_83 = vector.shape_cast %get3A_82 : vector<16xf32> to vector<16xf32>
      %slice3A = vector.extract_strided_slice %get3A_83 {offsets = [0], sizes = [1], strides = [1]} : vector<16xf32> to vector<1xf32>
      %squeeze3A = vector.extract %slice3A[0] : f32 from vector<1xf32>
      %mul3A_84 = arith.constant 4 : i32
      %mul3A_85 = arith.muli %scan3A_79, %mul3A_84 : i32
      %add3A_86 = arith.constant 0 : i32
      %add3A_87 = arith.addi %mul3A_85, %add3A_86 : i32
      %get3A_88 = arith.index_cast %add3A_87 : i32 to index
      %get3A_89 = arith.constant 0 : index
      %get3A_90 = tpu.vector_load %arg12[%get3A_88, %get3A_89] {strides = array<i32>} : memref<128x128xf32, #tpu.memory_space<vmem>>, vector<1x16xf32>,
      %get3A_91 = vector.shape_cast %get3A_90 : vector<1x16xf32> to vector<16xf32>
      %mul3A_92 = vector.broadcast %squeeze3A : f32 to vector<16xf32>
      %mul3A_93 = arith.mulf %get3A_91, %mul3A_92 : vector<16xf32>
      %mul3A_94 = arith.constant 4 : i32
      %mul3A_95 = arith.muli %scan3A_79, %mul3A_94 : i32
      %add3A_96 = arith.constant 0 : i32
      %add3A_97 = arith.addi %mul3A_95, %add3A_96 : i32
      %swap3A = arith.index_cast %add3A_97 : i32 to index
      %swap3A_98 = arith.constant 0 : index
      %swap3A_99 = tpu.vector_load %arg12[%swap3A, %swap3A_98] {strides = array<i32>} : memref<128x128xf32, #tpu.memory_space<vmem>>, vector<1x16xf32>,
      %swap3A_100 = vector.shape_cast %swap3A_99 : vector<1x16xf32> to vector<16xf32>
      %swap3A_101 = vector.shape_cast %mul3A_93 : vector<16xf32> to vector<1x16xf32>
      tpu.vector_store %arg12[%swap3A, %swap3A_98], %swap3A_101 {strides = array<i32>} : memref<128x128xf32, #tpu.memory_space<vmem>>, vector<1x16xf32>,
      %mul3A_102 = arith.constant 4 : i32
      %mul3A_103 = arith.muli %scan3A_79, %mul3A_102 : i32
      %add3A_104 = arith.constant 0 : i32
      %add3A_105 = arith.addi %mul3A_103, %add3A_104 : i32
      %get3A_106 = arith.index_cast %add3A_105 : i32 to index
      %get3A_107 = arith.constant 16 : index
      %get3A_108 = tpu.vector_load %arg12[%get3A_106, %get3A_107] {strides = array<i32>} : memref<128x128xf32, #tpu.memory_space<vmem>>, vector<1x16xf32>,
      %get3A_109 = vector.shape_cast %get3A_108 : vector<1x16xf32> to vector<16xf32>
      %mul3A_110 = vector.broadcast %squeeze3A : f32 to vector<16xf32>
      %mul3A_111 = arith.mulf %get3A_109, %mul3A_110 : vector<16xf32>
      %mul3A_112 = arith.constant 4 : i32
      %mul3A_113 = arith.muli %scan3A_79, %mul3A_112 : i32
      %add3A_114 = arith.constant 0 : i32
      %add3A_115 = arith.addi %mul3A_113, %add3A_114 : i32
      %swap3A_116 = arith.index_cast %add3A_115 : i32 to index
      %swap3A_117 = arith.constant 16 : index
      %swap3A_118 = tpu.vector_load %arg12[%swap3A_116, %swap3A_117] {strides = array<i32>} : memref<128x128xf32, #tpu.memory_space<vmem>>, vector<1x16xf32>,
      %swap3A_119 = vector.shape_cast %swap3A_118 : vector<1x16xf32> to vector<16xf32>
      %swap3A_120 = vector.shape_cast %mul3A_111 : vector<16xf32> to vector<1x16xf32>
      tpu.vector_store %arg12[%swap3A_116, %swap3A_117], %swap3A_120 {strides = array<i32>} : memref<128x128xf32, #tpu.memory_space<vmem>>, vector<1x16xf32>,
      %slice3A_121 = vector.extract_strided_slice %get3A_83 {offsets = [1], sizes = [1], strides = [1]} : vector<16xf32> to vector<1xf32>
      %squeeze3A_122 = vector.extract %slice3A_121[0] : f32 from vector<1xf32>
      %mul3A_123 = arith.constant 4 : i32
      %mul3A_124 = arith.muli %scan3A_79, %mul3A_123 : i32
      %add3A_125 = arith.constant 0 : i32
      %add3A_126 = arith.addi %mul3A_124, %add3A_125 : i32
      %get3A_127 = arith.index_cast %add3A_126 : i32 to index
      %get3A_128 = arith.constant 32 : index
      %get3A_129 = tpu.vector_load %arg12[%get3A_127, %get3A_128] {strides = array<i32>} : memref<128x128xf32, #tpu.memory_space<vmem>>, vector<1x16xf32>,
      %get3A_130 = vector.shape_cast %get3A_129 : vector<1x16xf32> to vector<16xf32>
      %mul3A_131 = vector.broadcast %squeeze3A_122 : f32 to vector<16xf32>
      %mul3A_132 = arith.mulf %get3A_130, %mul3A_131 : vector<16xf32>
      %mul3A_133 = arith.constant 4 : i32
      %mul3A_134 = arith.muli %scan3A_79, %mul3A_133 : i32
      %add3A_135 = arith.constant 0 : i32
      %add3A_136 = arith.addi %mul3A_134, %add3A_135 : i32
      %swap3A_137 = arith.index_cast %add3A_136 : i32 to index
      %swap3A_138 = arith.constant 32 : index
      %swap3A_139 = tpu.vector_load %arg12[%swap3A_137, %swap3A_138] {strides = array<i32>} : memref<128x128xf32, #tpu.memory_space<vmem>>, vector<1x16xf32>,
      %swap3A_140 = vector.shape_cast %swap3A_139 : vector<1x16xf32> to vector<16xf32>
      %swap3A_141 = vector.shape_cast %mul3A_132 : vector<16xf32> to vector<1x16xf32>
      tpu.vector_store %arg12[%swap3A_137, %swap3A_138], %swap3A_141 {strides = array<i32>} : memref<128x128xf32, #tpu.memory_space<vmem>>, vector<1x16xf32>,
      %mul3A_142 = arith.constant 4 : i32
      %mul3A_143 = arith.muli %scan3A_79, %mul3A_142 : i32
      %add3A_144 = arith.constant 0 : i32
      %add3A_145 = arith.addi %mul3A_143, %add3A_144 : i32
      %get3A_146 = arith.index_cast %add3A_145 : i32 to index
      %get3A_147 = arith.constant 48 : index
      %get3A_148 = tpu.vector_load %arg12[%get3A_146, %get3A_147] {strides = array<i32>} : memref<128x128xf32, #tpu.memory_space<vmem>>, vector<1x16xf32>,
      %get3A_149 = vector.shape_cast %get3A_148 : vector<1x16xf32> to vector<16xf32>
      %mul3A_150 = vector.broadcast %squeeze3A_122 : f32 to vector<16xf32>
      %mul3A_151 = arith.mulf %get3A_149, %mul3A_150 : vector<16xf32>
      %mul3A_152 = arith.constant 4 : i32
      %mul3A_153 = arith.muli %scan3A_79, %mul3A_152 : i32
      %add3A_154 = arith.constant 0 : i32
      %add3A_155 = arith.addi %mul3A_153, %add3A_154 : i32
      %swap3A_156 = arith.index_cast %add3A_155 : i32 to index
      %swap3A_157 = arith.constant 48 : index
      %swap3A_158 = tpu.vector_load %arg12[%swap3A_156, %swap3A_157] {strides = array<i32>} : memref<128x128xf32, #tpu.memory_space<vmem>>, vector<1x16xf32>,
      %swap3A_159 = vector.shape_cast %swap3A_158 : vector<1x16xf32> to vector<16xf32>
      %swap3A_160 = vector.shape_cast %mul3A_151 : vector<16xf32> to vector<1x16xf32>
      tpu.vector_store %arg12[%swap3A_156, %swap3A_157], %swap3A_160 {strides = array<i32>} : memref<128x128xf32, #tpu.memory_space<vmem>>, vector<1x16xf32>,
      %slice3A_161 = vector.extract_strided_slice %get3A_83 {offsets = [2], sizes = [1], strides = [1]} : vector<16xf32> to vector<1xf32>
      %squeeze3A_162 = vector.extract %slice3A_161[0] : f32 from vector<1xf32>
      %mul3A_163 = arith.constant 4 : i32
      %mul3A_164 = arith.muli %scan3A_79, %mul3A_163 : i32
      %add3A_165 = arith.constant 0 : i32
      %add3A_166 = arith.addi %mul3A_164, %add3A_165 : i32
      %get3A_167 = arith.index_cast %add3A_166 : i32 to index
      %get3A_168 = arith.constant 64 : index
      %get3A_169 = tpu.vector_load %arg12[%get3A_167, %get3A_168] {strides = array<i32>} : memref<128x128xf32, #tpu.memory_space<vmem>>, vector<1x16xf32>,
      %get3A_170 = vector.shape_cast %get3A_169 : vector<1x16xf32> to vector<16xf32>
      %mul3A_171 = vector.broadcast %squeeze3A_162 : f32 to vector<16xf32>
      %mul3A_172 = arith.mulf %get3A_170, %mul3A_171 : vector<16xf32>
      %mul3A_173 = arith.constant 4 : i32
      %mul3A_174 = arith.muli %scan3A_79, %mul3A_173 : i32
      %add3A_175 = arith.constant 0 : i32
      %add3A_176 = arith.addi %mul3A_174, %add3A_175 : i32
      %swap3A_177 = arith.index_cast %add3A_176 : i32 to index
      %swap3A_178 = arith.constant 64 : index
      %swap3A_179 = tpu.vector_load %arg12[%swap3A_177, %swap3A_178] {strides = array<i32>} : memref<128x128xf32, #tpu.memory_space<vmem>>, vector<1x16xf32>,
      %swap3A_180 = vector.shape_cast %swap3A_179 : vector<1x16xf32> to vector<16xf32>
      %swap3A_181 = vector.shape_cast %mul3A_172 : vector<16xf32> to vector<1x16xf32>
      tpu.vector_store %arg12[%swap3A_177, %swap3A_178], %swap3A_181 {strides = array<i32>} : memref<128x128xf32, #tpu.memory_space<vmem>>, vector<1x16xf32>,
      %mul3A_182 = arith.constant 4 : i32
      %mul3A_183 = arith.muli %scan3A_79, %mul3A_182 : i32
      %add3A_184 = arith.constant 0 : i32
      %add3A_185 = arith.addi %mul3A_183, %add3A_184 : i32
      %get3A_186 = arith.index_cast %add3A_185 : i32 to index
      %get3A_187 = arith.constant 80 : index
      %get3A_188 = tpu.vector_load %arg12[%get3A_186, %get3A_187] {strides = array<i32>} : memref<128x128xf32, #tpu.memory_space<vmem>>, vector<1x16xf32>,
      %get3A_189 = vector.shape_cast %get3A_188 : vector<1x16xf32> to vector<16xf32>
      %mul3A_190 = vector.broadcast %squeeze3A_162 : f32 to vector<16xf32>
      %mul3A_191 = arith.mulf %get3A_189, %mul3A_190 : vector<16xf32>
      %mul3A_192 = arith.constant 4 : i32
      %mul3A_193 = arith.muli %scan3A_79, %mul3A_192 : i32
      %add3A_194 = arith.constant 0 : i32
      %add3A_195 = arith.addi %mul3A_193, %add3A_194 : i32
      %swap3A_196 = arith.index_cast %add3A_195 : i32 to index
      %swap3A_197 = arith.constant 80 : index
      %swap3A_198 = tpu.vector_load %arg12[%swap3A_196, %swap3A_197] {strides = array<i32>} : memref<128x128xf32, #tpu.memory_space<vmem>>, vector<1x16xf32>,
      %swap3A_199 = vector.shape_cast %swap3A_198 : vector<1x16xf32> to vector<16xf32>
      %swap3A_200 = vector.shape_cast %mul3A_191 : vector<16xf32> to vector<1x16xf32>
      tpu.vector_store %arg12[%swap3A_196, %swap3A_197], %swap3A_200 {strides = array<i32>} : memref<128x128xf32, #tpu.memory_space<vmem>>, vector<1x16xf32>,
      %slice3A_201 = vector.extract_strided_slice %get3A_83 {offsets = [3], sizes = [1], strides = [1]} : vector<16xf32> to vector<1xf32>
      %squeeze3A_202 = vector.extract %slice3A_201[0] : f32 from vector<1xf32>
      %mul3A_203 = arith.constant 4 : i32
      %mul3A_204 = arith.muli %scan3A_79, %mul3A_203 : i32
      %add3A_205 = arith.constant 0 : i32
      %add3A_206 = arith.addi %mul3A_204, %add3A_205 : i32
      %get3A_207 = arith.index_cast %add3A_206 : i32 to index
      %get3A_208 = arith.constant 96 : index
      %get3A_209 = tpu.vector_load %arg12[%get3A_207, %get3A_208] {strides = array<i32>} : memref<128x128xf32, #tpu.memory_space<vmem>>, vector<1x16xf32>,
      %get3A_210 = vector.shape_cast %get3A_209 : vector<1x16xf32> to vector<16xf32>
      %mul3A_211 = vector.broadcast %squeeze3A_202 : f32 to vector<16xf32>
      %mul3A_212 = arith.mulf %get3A_210, %mul3A_211 : vector<16xf32>
      %mul3A_213 = arith.constant 4 : i32
      %mul3A_214 = arith.muli %scan3A_79, %mul3A_213 : i32
      %add3A_215 = arith.constant 0 : i32
      %add3A_216 = arith.addi %mul3A_214, %add3A_215 : i32
      %swap3A_217 = arith.index_cast %add3A_216 : i32 to index
      %swap3A_218 = arith.constant 96 : index
      %swap3A_219 = tpu.vector_load %arg12[%swap3A_217, %swap3A_218] {strides = array<i32>} : memref<128x128xf32, #tpu.memory_space<vmem>>, vector<1x16xf32>,
      %swap3A_220 = vector.shape_cast %swap3A_219 : vector<1x16xf32> to vector<16xf32>
      %swap3A_221 = vector.shape_cast %mul3A_212 : vector<16xf32> to vector<1x16xf32>
      tpu.vector_store %arg12[%swap3A_217, %swap3A_218], %swap3A_221 {strides = array<i32>} : memref<128x128xf32, #tpu.memory_space<vmem>>, vector<1x16xf32>,
      %mul3A_222 = arith.constant 4 : i32
      %mul3A_223 = arith.muli %scan3A_79, %mul3A_222 : i32
      %add3A_224 = arith.constant 0 : i32
      %add3A_225 = arith.addi %mul3A_223, %add3A_224 : i32
      %get3A_226 = arith.index_cast %add3A_225 : i32 to index
      %get3A_227 = arith.constant 112 : index
      %get3A_228 = tpu.vector_load %arg12[%get3A_226, %get3A_227] {strides = array<i32>} : memref<128x128xf32, #tpu.memory_space<vmem>>, vector<1x16xf32>,
      %get3A_229 = vector.shape_cast %get3A_228 : vector<1x16xf32> to vector<16xf32>
      %mul3A_230 = vector.broadcast %squeeze3A_202 : f32 to vector<16xf32>
      %mul3A_231 = arith.mulf %get3A_229, %mul3A_230 : vector<16xf32>
      %mul3A_232 = arith.constant 4 : i32
      %mul3A_233 = arith.muli %scan3A_79, %mul3A_232 : i32
      %add3A_234 = arith.constant 0 : i32
      %add3A_235 = arith.addi %mul3A_233, %add3A_234 : i32
      %swap3A_236 = arith.index_cast %add3A_235 : i32 to index
      %swap3A_237 = arith.constant 112 : index
      %swap3A_238 = tpu.vector_load %arg12[%swap3A_236, %swap3A_237] {strides = array<i32>} : memref<128x128xf32, #tpu.memory_space<vmem>>, vector<1x16xf32>,
      %swap3A_239 = vector.shape_cast %swap3A_238 : vector<1x16xf32> to vector<16xf32>
      %swap3A_240 = vector.shape_cast %mul3A_231 : vector<16xf32> to vector<1x16xf32>
      tpu.vector_store %arg12[%swap3A_236, %swap3A_237], %swap3A_240 {strides = array<i32>} : memref<128x128xf32, #tpu.memory_space<vmem>>, vector<1x16xf32>,
      %slice3A_241 = vector.extract_strided_slice %get3A_83 {offsets = [4], sizes = [1], strides = [1]} : vector<16xf32> to vector<1xf32>
      %squeeze3A_242 = vector.extract %slice3A_241[0] : f32 from vector<1xf32>
      %mul3A_243 = arith.constant 4 : i32
      %mul3A_244 = arith.muli %scan3A_79, %mul3A_243 : i32
      %add3A_245 = arith.constant 1 : i32
      %add3A_246 = arith.addi %mul3A_244, %add3A_245 : i32
      %get3A_247 = arith.index_cast %add3A_246 : i32 to index
      %get3A_248 = arith.constant 0 : index
      %get3A_249 = tpu.vector_load %arg12[%get3A_247, %get3A_248] {strides = array<i32>} : memref<128x128xf32, #tpu.memory_space<vmem>>, vector<1x16xf32>,
      %get3A_250 = vector.shape_cast %get3A_249 : vector<1x16xf32> to vector<16xf32>
      %mul3A_251 = vector.broadcast %squeeze3A_242 : f32 to vector<16xf32>
      %mul3A_252 = arith.mulf %get3A_250, %mul3A_251 : vector<16xf32>
      %mul3A_253 = arith.constant 4 : i32
      %mul3A_254 = arith.muli %scan3A_79, %mul3A_253 : i32
      %add3A_255 = arith.constant 1 : i32
      %add3A_256 = arith.addi %mul3A_254, %add3A_255 : i32
      %swap3A_257 = arith.index_cast %add3A_256 : i32 to index
      %swap3A_258 = arith.constant 0 : index
      %swap3A_259 = tpu.vector_load %arg12[%swap3A_257, %swap3A_258] {strides = array<i32>} : memref<128x128xf32, #tpu.memory_space<vmem>>, vector<1x16xf32>,
      %swap3A_260 = vector.shape_cast %swap3A_259 : vector<1x16xf32> to vector<16xf32>
      %swap3A_261 = vector.shape_cast %mul3A_252 : vector<16xf32> to vector<1x16xf32>
      tpu.vector_store %arg12[%swap3A_257, %swap3A_258], %swap3A_261 {strides = array<i32>} : memref<128x128xf32, #tpu.memory_space<vmem>>, vector<1x16xf32>,
      %mul3A_262 = arith.constant 4 : i32
      %mul3A_263 = arith.muli %scan3A_79, %mul3A_262 : i32
      %add3A_264 = arith.constant 1 : i32
      %add3A_265 = arith.addi %mul3A_263, %add3A_264 : i32
      %get3A_266 = arith.index_cast %add3A_265 : i32 to index
      %get3A_267 = arith.constant 16 : index
      %get3A_268 = tpu.vector_load %arg12[%get3A_266, %get3A_267] {strides = array<i32>} : memref<128x128xf32, #tpu.memory_space<vmem>>, vector<1x16xf32>,
      %get3A_269 = vector.shape_cast %get3A_268 : vector<1x16xf32> to vector<16xf32>
      %mul3A_270 = vector.broadcast %squeeze3A_242 : f32 to vector<16xf32>
      %mul3A_271 = arith.mulf %get3A_269, %mul3A_270 : vector<16xf32>
      %mul3A_272 = arith.constant 4 : i32
      %mul3A_273 = arith.muli %scan3A_79, %mul3A_272 : i32
      %add3A_274 = arith.constant 1 : i32
      %add3A_275 = arith.addi %mul3A_273, %add3A_274 : i32
      %swap3A_276 = arith.index_cast %add3A_275 : i32 to index
      %swap3A_277 = arith.constant 16 : index
      %swap3A_278 = tpu.vector_load %arg12[%swap3A_276, %swap3A_277] {strides = array<i32>} : memref<128x128xf32, #tpu.memory_space<vmem>>, vector<1x16xf32>,
      %swap3A_279 = vector.shape_cast %swap3A_278 : vector<1x16xf32> to vector<16xf32>
      %swap3A_280 = vector.shape_cast %mul3A_271 : vector<16xf32> to vector<1x16xf32>
      tpu.vector_store %arg12[%swap3A_276, %swap3A_277], %swap3A_280 {strides = array<i32>} : memref<128x128xf32, #tpu.memory_space<vmem>>, vector<1x16xf32>,
      %slice3A_281 = vector.extract_strided_slice %get3A_83 {offsets = [5], sizes = [1], strides = [1]} : vector<16xf32> to vector<1xf32>
      %squeeze3A_282 = vector.extract %slice3A_281[0] : f32 from vector<1xf32>
      %mul3A_283 = arith.constant 4 : i32
      %mul3A_284 = arith.muli %scan3A_79, %mul3A_283 : i32
      %add3A_285 = arith.constant 1 : i32
      %add3A_286 = arith.addi %mul3A_284, %add3A_285 : i32
      %get3A_287 = arith.index_cast %add3A_286 : i32 to index
      %get3A_288 = arith.constant 32 : index
      %get3A_289 = tpu.vector_load %arg12[%get3A_287, %get3A_288] {strides = array<i32>} : memref<128x128xf32, #tpu.memory_space<vmem>>, vector<1x16xf32>,
      %get3A_290 = vector.shape_cast %get3A_289 : vector<1x16xf32> to vector<16xf32>
      %mul3A_291 = vector.broadcast %squeeze3A_282 : f32 to vector<16xf32>
      %mul3A_292 = arith.mulf %get3A_290, %mul3A_291 : vector<16xf32>
      %mul3A_293 = arith.constant 4 : i32
      %mul3A_294 = arith.muli %scan3A_79, %mul3A_293 : i32
      %add3A_295 = arith.constant 1 : i32
      %add3A_296 = arith.addi %mul3A_294, %add3A_295 : i32
      %swap3A_297 = arith.index_cast %add3A_296 : i32 to index
      %swap3A_298 = arith.constant 32 : index
      %swap3A_299 = tpu.vector_load %arg12[%swap3A_297, %swap3A_298] {strides = array<i32>} : memref<128x128xf32, #tpu.memory_space<vmem>>, vector<1x16xf32>,
      %swap3A_300 = vector.shape_cast %swap3A_299 : vector<1x16xf32> to vector<16xf32>
      %swap3A_301 = vector.shape_cast %mul3A_292 : vector<16xf32> to vector<1x16xf32>
      tpu.vector_store %arg12[%swap3A_297, %swap3A_298], %swap3A_301 {strides = array<i32>} : memref<128x128xf32, #tpu.memory_space<vmem>>, vector<1x16xf32>,
      %mul3A_302 = arith.constant 4 : i32
      %mul3A_303 = arith.muli %scan3A_79, %mul3A_302 : i32
      %add3A_304 = arith.constant 1 : i32
      %add3A_305 = arith.addi %mul3A_303, %add3A_304 : i32
      %get3A_306 = arith.index_cast %add3A_305 : i32 to index
      %get3A_307 = arith.constant 48 : index
      %get3A_308 = tpu.vector_load %arg12[%get3A_306, %get3A_307] {strides = array<i32>} : memref<128x128xf32, #tpu.memory_space<vmem>>, vector<1x16xf32>,
      %get3A_309 = vector.shape_cast %get3A_308 : vector<1x16xf32> to vector<16xf32>
      %mul3A_310 = vector.broadcast %squeeze3A_282 : f32 to vector<16xf32>
      %mul3A_311 = arith.mulf %get3A_309, %mul3A_310 : vector<16xf32>
      %mul3A_312 = arith.constant 4 : i32
      %mul3A_313 = arith.muli %scan3A_79, %mul3A_312 : i32
      %add3A_314 = arith.constant 1 : i32
      %add3A_315 = arith.addi %mul3A_313, %add3A_314 : i32
      %swap3A_316 = arith.index_cast %add3A_315 : i32 to index
      %swap3A_317 = arith.constant 48 : index
      %swap3A_318 = tpu.vector_load %arg12[%swap3A_316, %swap3A_317] {strides = array<i32>} : memref<128x128xf32, #tpu.memory_space<vmem>>, vector<1x16xf32>,
      %swap3A_319 = vector.shape_cast %swap3A_318 : vector<1x16xf32> to vector<16xf32>
      %swap3A_320 = vector.shape_cast %mul3A_311 : vector<16xf32> to vector<1x16xf32>
      tpu.vector_store %arg12[%swap3A_316, %swap3A_317], %swap3A_320 {strides = array<i32>} : memref<128x128xf32, #tpu.memory_space<vmem>>, vector<1x16xf32>,
      %slice3A_321 = vector.extract_strided_slice %get3A_83 {offsets = [6], sizes = [1], strides = [1]} : vector<16xf32> to vector<1xf32>
      %squeeze3A_322 = vector.extract %slice3A_321[0] : f32 from vector<1xf32>
      %mul3A_323 = arith.constant 4 : i32
      %mul3A_324 = arith.muli %scan3A_79, %mul3A_323 : i32
      %add3A_325 = arith.constant 1 : i32
      %add3A_326 = arith.addi %mul3A_324, %add3A_325 : i32
      %get3A_327 = arith.index_cast %add3A_326 : i32 to index
      %get3A_328 = arith.constant 64 : index
      %get3A_329 = tpu.vector_load %arg12[%get3A_327, %get3A_328] {strides = array<i32>} : memref<128x128xf32, #tpu.memory_space<vmem>>, vector<1x16xf32>,
      %get3A_330 = vector.shape_cast %get3A_329 : vector<1x16xf32> to vector<16xf32>
      %mul3A_331 = vector.broadcast %squeeze3A_322 : f32 to vector<16xf32>
      %mul3A_332 = arith.mulf %get3A_330, %mul3A_331 : vector<16xf32>
      %mul3A_333 = arith.constant 4 : i32
      %mul3A_334 = arith.muli %scan3A_79, %mul3A_333 : i32
      %add3A_335 = arith.constant 1 : i32
      %add3A_336 = arith.addi %mul3A_334, %add3A_335 : i32
      %swap3A_337 = arith.index_cast %add3A_336 : i32 to index
      %swap3A_338 = arith.constant 64 : index
      %swap3A_339 = tpu.vector_load %arg12[%swap3A_337, %swap3A_338] {strides = array<i32>} : memref<128x128xf32, #tpu.memory_space<vmem>>, vector<1x16xf32>,
      %swap3A_340 = vector.shape_cast %swap3A_339 : vector<1x16xf32> to vector<16xf32>
      %swap3A_341 = vector.shape_cast %mul3A_332 : vector<16xf32> to vector<1x16xf32>
      tpu.vector_store %arg12[%swap3A_337, %swap3A_338], %swap3A_341 {strides = array<i32>} : memref<128x128xf32, #tpu.memory_space<vmem>>, vector<1x16xf32>,
      %mul3A_342 = arith.constant 4 : i32
      %mul3A_343 = arith.muli %scan3A_79, %mul3A_342 : i32
      %add3A_344 = arith.constant 1 : i32
      %add3A_345 = arith.addi %mul3A_343, %add3A_344 : i32
      %get3A_346 = arith.index_cast %add3A_345 : i32 to index
      %get3A_347 = arith.constant 80 : index
      %get3A_348 = tpu.vector_load %arg12[%get3A_346, %get3A_347] {strides = array<i32>} : memref<128x128xf32, #tpu.memory_space<vmem>>, vector<1x16xf32>,
      %get3A_349 = vector.shape_cast %get3A_348 : vector<1x16xf32> to vector<16xf32>
      %mul3A_350 = vector.broadcast %squeeze3A_322 : f32 to vector<16xf32>
      %mul3A_351 = arith.mulf %get3A_349, %mul3A_350 : vector<16xf32>
      %mul3A_352 = arith.constant 4 : i32
      %mul3A_353 = arith.muli %scan3A_79, %mul3A_352 : i32
      %add3A_354 = arith.constant 1 : i32
      %add3A_355 = arith.addi %mul3A_353, %add3A_354 : i32
      %swap3A_356 = arith.index_cast %add3A_355 : i32 to index
      %swap3A_357 = arith.constant 80 : index
      %swap3A_358 = tpu.vector_load %arg12[%swap3A_356, %swap3A_357] {strides = array<i32>} : memref<128x128xf32, #tpu.memory_space<vmem>>, vector<1x16xf32>,
      %swap3A_359 = vector.shape_cast %swap3A_358 : vector<1x16xf32> to vector<16xf32>
      %swap3A_360 = vector.shape_cast %mul3A_351 : vector<16xf32> to vector<1x16xf32>
      tpu.vector_store %arg12[%swap3A_356, %swap3A_357], %swap3A_360 {strides = array<i32>} : memref<128x128xf32, #tpu.memory_space<vmem>>, vector<1x16xf32>,
      %slice3A_361 = vector.extract_strided_slice %get3A_83 {offsets = [7], sizes = [1], strides = [1]} : vector<16xf32> to vector<1xf32>
      %squeeze3A_362 = vector.extract %slice3A_361[0] : f32 from vector<1xf32>
      %mul3A_363 = arith.constant 4 : i32
      %mul3A_364 = arith.muli %scan3A_79, %mul3A_363 : i32
      %add3A_365 = arith.constant 1 : i32
      %add3A_366 = arith.addi %mul3A_364, %add3A_365 : i32
      %get3A_367 = arith.index_cast %add3A_366 : i32 to index
      %get3A_368 = arith.constant 96 : index
      %get3A_369 = tpu.vector_load %arg12[%get3A_367, %get3A_368] {strides = array<i32>} : memref<128x128xf32, #tpu.memory_space<vmem>>, vector<1x16xf32>,
      %get3A_370 = vector.shape_cast %get3A_369 : vector<1x16xf32> to vector<16xf32>
      %mul3A_371 = vector.broadcast %squeeze3A_362 : f32 to vector<16xf32>
      %mul3A_372 = arith.mulf %get3A_370, %mul3A_371 : vector<16xf32>
      %mul3A_373 = arith.constant 4 : i32
      %mul3A_374 = arith.muli %scan3A_79, %mul3A_373 : i32
      %add3A_375 = arith.constant 1 : i32
      %add3A_376 = arith.addi %mul3A_374, %add3A_375 : i32
      %swap3A_377 = arith.index_cast %add3A_376 : i32 to index
      %swap3A_378 = arith.constant 96 : index
      %swap3A_379 = tpu.vector_load %arg12[%swap3A_377, %swap3A_378] {strides = array<i32>} : memref<128x128xf32, #tpu.memory_space<vmem>>, vector<1x16xf32>,
      %swap3A_380 = vector.shape_cast %swap3A_379 : vector<1x16xf32> to vector<16xf32>
      %swap3A_381 = vector.shape_cast %mul3A_372 : vector<16xf32> to vector<1x16xf32>
      tpu.vector_store %arg12[%swap3A_377, %swap3A_378], %swap3A_381 {strides = array<i32>} : memref<128x128xf32, #tpu.memory_space<vmem>>, vector<1x16xf32>,
      %mul3A_382 = arith.constant 4 : i32
      %mul3A_383 = arith.muli %scan3A_79, %mul3A_382 : i32
      %add3A_384 = arith.constant 1 : i32
      %add3A_385 = arith.addi %mul3A_383, %add3A_384 : i32
      %get3A_386 = arith.index_cast %add3A_385 : i32 to index
      %get3A_387 = arith.constant 112 : index
      %get3A_388 = tpu.vector_load %arg12[%get3A_386, %get3A_387] {strides = array<i32>} : memref<128x128xf32, #tpu.memory_space<vmem>>, vector<1x16xf32>,
      %get3A_389 = vector.shape_cast %get3A_388 : vector<1x16xf32> to vector<16xf32>
      %mul3A_390 = vector.broadcast %squeeze3A_362 : f32 to vector<16xf32>
      %mul3A_391 = arith.mulf %get3A_389, %mul3A_390 : vector<16xf32>
      %mul3A_392 = arith.constant 4 : i32
      %mul3A_393 = arith.muli %scan3A_79, %mul3A_392 : i32
      %add3A_394 = arith.constant 1 : i32
      %add3A_395 = arith.addi %mul3A_393, %add3A_394 : i32
      %swap3A_396 = arith.index_cast %add3A_395 : i32 to index
      %swap3A_397 = arith.constant 112 : index
      %swap3A_398 = tpu.vector_load %arg12[%swap3A_396, %swap3A_397] {strides = array<i32>} : memref<128x128xf32, #tpu.memory_space<vmem>>, vector<1x16xf32>,
      %swap3A_399 = vector.shape_cast %swap3A_398 : vector<1x16xf32> to vector<16xf32>
      %swap3A_400 = vector.shape_cast %mul3A_391 : vector<16xf32> to vector<1x16xf32>
      tpu.vector_store %arg12[%swap3A_396, %swap3A_397], %swap3A_400 {strides = array<i32>} : memref<128x128xf32, #tpu.memory_space<vmem>>, vector<1x16xf32>,
      %slice3A_401 = vector.extract_strided_slice %get3A_83 {offsets = [8], sizes = [1], strides = [1]} : vector<16xf32> to vector<1xf32>
      %squeeze3A_402 = vector.extract %slice3A_401[0] : f32 from vector<1xf32>
      %mul3A_403 = arith.constant 4 : i32
      %mul3A_404 = arith.muli %scan3A_79, %mul3A_403 : i32
      %add3A_405 = arith.constant 2 : i32
      %add3A_406 = arith.addi %mul3A_404, %add3A_405 : i32
      %get3A_407 = arith.index_cast %add3A_406 : i32 to index
      %get3A_408 = arith.constant 0 : index
      %get3A_409 = tpu.vector_load %arg12[%get3A_407, %get3A_408] {strides = array<i32>} : memref<128x128xf32, #tpu.memory_space<vmem>>, vector<1x16xf32>,
      %get3A_410 = vector.shape_cast %get3A_409 : vector<1x16xf32> to vector<16xf32>
      %mul3A_411 = vector.broadcast %squeeze3A_402 : f32 to vector<16xf32>
      %mul3A_412 = arith.mulf %get3A_410, %mul3A_411 : vector<16xf32>
      %mul3A_413 = arith.constant 4 : i32
      %mul3A_414 = arith.muli %scan3A_79, %mul3A_413 : i32
      %add3A_415 = arith.constant 2 : i32
      %add3A_416 = arith.addi %mul3A_414, %add3A_415 : i32
      %swap3A_417 = arith.index_cast %add3A_416 : i32 to index
      %swap3A_418 = arith.constant 0 : index
      %swap3A_419 = tpu.vector_load %arg12[%swap3A_417, %swap3A_418] {strides = array<i32>} : memref<128x128xf32, #tpu.memory_space<vmem>>, vector<1x16xf32>,
      %swap3A_420 = vector.shape_cast %swap3A_419 : vector<1x16xf32> to vector<16xf32>
      %swap3A_421 = vector.shape_cast %mul3A_412 : vector<16xf32> to vector<1x16xf32>
      tpu.vector_store %arg12[%swap3A_417, %swap3A_418], %swap3A_421 {strides = array<i32>} : memref<128x128xf32, #tpu.memory_space<vmem>>, vector<1x16xf32>,
      %mul3A_422 = arith.constant 4 : i32
      %mul3A_423 = arith.muli %scan3A_79, %mul3A_422 : i32
      %add3A_424 = arith.constant 2 : i32
      %add3A_425 = arith.addi %mul3A_423, %add3A_424 : i32
      %get3A_426 = arith.index_cast %add3A_425 : i32 to index
      %get3A_427 = arith.constant 16 : index
      %get3A_428 = tpu.vector_load %arg12[%get3A_426, %get3A_427] {strides = array<i32>} : memref<128x128xf32, #tpu.memory_space<vmem>>, vector<1x16xf32>,
      %get3A_429 = vector.shape_cast %get3A_428 : vector<1x16xf32> to vector<16xf32>
      %mul3A_430 = vector.broadcast %squeeze3A_402 : f32 to vector<16xf32>
      %mul3A_431 = arith.mulf %get3A_429, %mul3A_430 : vector<16xf32>
      %mul3A_432 = arith.constant 4 : i32
      %mul3A_433 = arith.muli %scan3A_79, %mul3A_432 : i32
      %add3A_434 = arith.constant 2 : i32
      %add3A_435 = arith.addi %mul3A_433, %add3A_434 : i32
      %swap3A_436 = arith.index_cast %add3A_435 : i32 to index
      %swap3A_437 = arith.constant 16 : index
      %swap3A_438 = tpu.vector_load %arg12[%swap3A_436, %swap3A_437] {strides = array<i32>} : memref<128x128xf32, #tpu.memory_space<vmem>>, vector<1x16xf32>,
      %swap3A_439 = vector.shape_cast %swap3A_438 : vector<1x16xf32> to vector<16xf32>
      %swap3A_440 = vector.shape_cast %mul3A_431 : vector<16xf32> to vector<1x16xf32>
      tpu.vector_store %arg12[%swap3A_436, %swap3A_437], %swap3A_440 {strides = array<i32>} : memref<128x128xf32, #tpu.memory_space<vmem>>, vector<1x16xf32>,
      %slice3A_441 = vector.extract_strided_slice %get3A_83 {offsets = [9], sizes = [1], strides = [1]} : vector<16xf32> to vector<1xf32>
      %squeeze3A_442 = vector.extract %slice3A_441[0] : f32 from vector<1xf32>
      %mul3A_443 = arith.constant 4 : i32
      %mul3A_444 = arith.muli %scan3A_79, %mul3A_443 : i32
      %add3A_445 = arith.constant 2 : i32
      %add3A_446 = arith.addi %mul3A_444, %add3A_445 : i32
      %get3A_447 = arith.index_cast %add3A_446 : i32 to index
      %get3A_448 = arith.constant 32 : index
      %get3A_449 = tpu.vector_load %arg12[%get3A_447, %get3A_448] {strides = array<i32>} : memref<128x128xf32, #tpu.memory_space<vmem>>, vector<1x16xf32>,
      %get3A_450 = vector.shape_cast %get3A_449 : vector<1x16xf32> to vector<16xf32>
      %mul3A_451 = vector.broadcast %squeeze3A_442 : f32 to vector<16xf32>
      %mul3A_452 = arith.mulf %get3A_450, %mul3A_451 : vector<16xf32>
      %mul3A_453 = arith.constant 4 : i32
      %mul3A_454 = arith.muli %scan3A_79, %mul3A_453 : i32
      %add3A_455 = arith.constant 2 : i32
      %add3A_456 = arith.addi %mul3A_454, %add3A_455 : i32
      %swap3A_457 = arith.index_cast %add3A_456 : i32 to index
      %swap3A_458 = arith.constant 32 : index
      %swap3A_459 = tpu.vector_load %arg12[%swap3A_457, %swap3A_458] {strides = array<i32>} : memref<128x128xf32, #tpu.memory_space<vmem>>, vector<1x16xf32>,
      %swap3A_460 = vector.shape_cast %swap3A_459 : vector<1x16xf32> to vector<16xf32>
      %swap3A_461 = vector.shape_cast %mul3A_452 : vector<16xf32> to vector<1x16xf32>
      tpu.vector_store %arg12[%swap3A_457, %swap3A_458], %swap3A_461 {strides = array<i32>} : memref<128x128xf32, #tpu.memory_space<vmem>>, vector<1x16xf32>,
      %mul3A_462 = arith.constant 4 : i32
      %mul3A_463 = arith.muli %scan3A_79, %mul3A_462 : i32
      %add3A_464 = arith.constant 2 : i32
      %add3A_465 = arith.addi %mul3A_463, %add3A_464 : i32
      %get3A_466 = arith.index_cast %add3A_465 : i32 to index
      %get3A_467 = arith.constant 48 : index
      %get3A_468 = tpu.vector_load %arg12[%get3A_466, %get3A_467] {strides = array<i32>} : memref<128x128xf32, #tpu.memory_space<vmem>>, vector<1x16xf32>,
      %get3A_469 = vector.shape_cast %get3A_468 : vector<1x16xf32> to vector<16xf32>
      %mul3A_470 = vector.broadcast %squeeze3A_442 : f32 to vector<16xf32>
      %mul3A_471 = arith.mulf %get3A_469, %mul3A_470 : vector<16xf32>
      %mul3A_472 = arith.constant 4 : i32
      %mul3A_473 = arith.muli %scan3A_79, %mul3A_472 : i32
      %add3A_474 = arith.constant 2 : i32
      %add3A_475 = arith.addi %mul3A_473, %add3A_474 : i32
      %swap3A_476 = arith.index_cast %add3A_475 : i32 to index
      %swap3A_477 = arith.constant 48 : index
      %swap3A_478 = tpu.vector_load %arg12[%swap3A_476, %swap3A_477] {strides = array<i32>} : memref<128x128xf32, #tpu.memory_space<vmem>>, vector<1x16xf32>,
      %swap3A_479 = vector.shape_cast %swap3A_478 : vector<1x16xf32> to vector<16xf32>
      %swap3A_480 = vector.shape_cast %mul3A_471 : vector<16xf32> to vector<1x16xf32>
      tpu.vector_store %arg12[%swap3A_476, %swap3A_477], %swap3A_480 {strides = array<i32>} : memref<128x128xf32, #tpu.memory_space<vmem>>, vector<1x16xf32>,
      %slice3A_481 = vector.extract_strided_slice %get3A_83 {offsets = [10], sizes = [1], strides = [1]} : vector<16xf32> to vector<1xf32>
      %squeeze3A_482 = vector.extract %slice3A_481[0] : f32 from vector<1xf32>
      %mul3A_483 = arith.constant 4 : i32
      %mul3A_484 = arith.muli %scan3A_79, %mul3A_483 : i32
      %add3A_485 = arith.constant 2 : i32
      %add3A_486 = arith.addi %mul3A_484, %add3A_485 : i32
      %get3A_487 = arith.index_cast %add3A_486 : i32 to index
      %get3A_488 = arith.constant 64 : index
      %get3A_489 = tpu.vector_load %arg12[%get3A_487, %get3A_488] {strides = array<i32>} : memref<128x128xf32, #tpu.memory_space<vmem>>, vector<1x16xf32>,
      %get3A_490 = vector.shape_cast %get3A_489 : vector<1x16xf32> to vector<16xf32>
      %mul3A_491 = vector.broadcast %squeeze3A_482 : f32 to vector<16xf32>
      %mul3A_492 = arith.mulf %get3A_490, %mul3A_491 : vector<16xf32>
      %mul3A_493 = arith.constant 4 : i32
      %mul3A_494 = arith.muli %scan3A_79, %mul3A_493 : i32
      %add3A_495 = arith.constant 2 : i32
      %add3A_496 = arith.addi %mul3A_494, %add3A_495 : i32
      %swap3A_497 = arith.index_cast %add3A_496 : i32 to index
      %swap3A_498 = arith.constant 64 : index
      %swap3A_499 = tpu.vector_load %arg12[%swap3A_497, %swap3A_498] {strides = array<i32>} : memref<128x128xf32, #tpu.memory_space<vmem>>, vector<1x16xf32>,
      %swap3A_500 = vector.shape_cast %swap3A_499 : vector<1x16xf32> to vector<16xf32>
      %swap3A_501 = vector.shape_cast %mul3A_492 : vector<16xf32> to vector<1x16xf32>
      tpu.vector_store %arg12[%swap3A_497, %swap3A_498], %swap3A_501 {strides = array<i32>} : memref<128x128xf32, #tpu.memory_space<vmem>>, vector<1x16xf32>,
      %mul3A_502 = arith.constant 4 : i32
      %mul3A_503 = arith.muli %scan3A_79, %mul3A_502 : i32
      %add3A_504 = arith.constant 2 : i32
      %add3A_505 = arith.addi %mul3A_503, %add3A_504 : i32
      %get3A_506 = arith.index_cast %add3A_505 : i32 to index
      %get3A_507 = arith.constant 80 : index
      %get3A_508 = tpu.vector_load %arg12[%get3A_506, %get3A_507] {strides = array<i32>} : memref<128x128xf32, #tpu.memory_space<vmem>>, vector<1x16xf32>,
      %get3A_509 = vector.shape_cast %get3A_508 : vector<1x16xf32> to vector<16xf32>
      %mul3A_510 = vector.broadcast %squeeze3A_482 : f32 to vector<16xf32>
      %mul3A_511 = arith.mulf %get3A_509, %mul3A_510 : vector<16xf32>
      %mul3A_512 = arith.constant 4 : i32
      %mul3A_513 = arith.muli %scan3A_79, %mul3A_512 : i32
      %add3A_514 = arith.constant 2 : i32
      %add3A_515 = arith.addi %mul3A_513, %add3A_514 : i32
      %swap3A_516 = arith.index_cast %add3A_515 : i32 to index
      %swap3A_517 = arith.constant 80 : index
      %swap3A_518 = tpu.vector_load %arg12[%swap3A_516, %swap3A_517] {strides = array<i32>} : memref<128x128xf32, #tpu.memory_space<vmem>>, vector<1x16xf32>,
      %swap3A_519 = vector.shape_cast %swap3A_518 : vector<1x16xf32> to vector<16xf32>
      %swap3A_520 = vector.shape_cast %mul3A_511 : vector<16xf32> to vector<1x16xf32>
      tpu.vector_store %arg12[%swap3A_516, %swap3A_517], %swap3A_520 {strides = array<i32>} : memref<128x128xf32, #tpu.memory_space<vmem>>, vector<1x16xf32>,
      %slice3A_521 = vector.extract_strided_slice %get3A_83 {offsets = [11], sizes = [1], strides = [1]} : vector<16xf32> to vector<1xf32>
      %squeeze3A_522 = vector.extract %slice3A_521[0] : f32 from vector<1xf32>
      %mul3A_523 = arith.constant 4 : i32
      %mul3A_524 = arith.muli %scan3A_79, %mul3A_523 : i32
      %add3A_525 = arith.constant 2 : i32
      %add3A_526 = arith.addi %mul3A_524, %add3A_525 : i32
      %get3A_527 = arith.index_cast %add3A_526 : i32 to index
      %get3A_528 = arith.constant 96 : index
      %get3A_529 = tpu.vector_load %arg12[%get3A_527, %get3A_528] {strides = array<i32>} : memref<128x128xf32, #tpu.memory_space<vmem>>, vector<1x16xf32>,
      %get3A_530 = vector.shape_cast %get3A_529 : vector<1x16xf32> to vector<16xf32>
      %mul3A_531 = vector.broadcast %squeeze3A_522 : f32 to vector<16xf32>
      %mul3A_532 = arith.mulf %get3A_530, %mul3A_531 : vector<16xf32>
      %mul3A_533 = arith.constant 4 : i32
      %mul3A_534 = arith.muli %scan3A_79, %mul3A_533 : i32
      %add3A_535 = arith.constant 2 : i32
      %add3A_536 = arith.addi %mul3A_534, %add3A_535 : i32
      %swap3A_537 = arith.index_cast %add3A_536 : i32 to index
      %swap3A_538 = arith.constant 96 : index
      %swap3A_539 = tpu.vector_load %arg12[%swap3A_537, %swap3A_538] {strides = array<i32>} : memref<128x128xf32, #tpu.memory_space<vmem>>, vector<1x16xf32>,
      %swap3A_540 = vector.shape_cast %swap3A_539 : vector<1x16xf32> to vector<16xf32>
      %swap3A_541 = vector.shape_cast %mul3A_532 : vector<16xf32> to vector<1x16xf32>
      tpu.vector_store %arg12[%swap3A_537, %swap3A_538], %swap3A_541 {strides = array<i32>} : memref<128x128xf32, #tpu.memory_space<vmem>>, vector<1x16xf32>,
      %mul3A_542 = arith.constant 4 : i32
      %mul3A_543 = arith.muli %scan3A_79, %mul3A_542 : i32
      %add3A_544 = arith.constant 2 : i32
      %add3A_545 = arith.addi %mul3A_543, %add3A_544 : i32
      %get3A_546 = arith.index_cast %add3A_545 : i32 to index
      %get3A_547 = arith.constant 112 : index
      %get3A_548 = tpu.vector_load %arg12[%get3A_546, %get3A_547] {strides = array<i32>} : memref<128x128xf32, #tpu.memory_space<vmem>>, vector<1x16xf32>,
      %get3A_549 = vector.shape_cast %get3A_548 : vector<1x16xf32> to vector<16xf32>
      %mul3A_550 = vector.broadcast %squeeze3A_522 : f32 to vector<16xf32>
      %mul3A_551 = arith.mulf %get3A_549, %mul3A_550 : vector<16xf32>
      %mul3A_552 = arith.constant 4 : i32
      %mul3A_553 = arith.muli %scan3A_79, %mul3A_552 : i32
      %add3A_554 = arith.constant 2 : i32
      %add3A_555 = arith.addi %mul3A_553, %add3A_554 : i32
      %swap3A_556 = arith.index_cast %add3A_555 : i32 to index
      %swap3A_557 = arith.constant 112 : index
      %swap3A_558 = tpu.vector_load %arg12[%swap3A_556, %swap3A_557] {strides = array<i32>} : memref<128x128xf32, #tpu.memory_space<vmem>>, vector<1x16xf32>,
      %swap3A_559 = vector.shape_cast %swap3A_558 : vector<1x16xf32> to vector<16xf32>
      %swap3A_560 = vector.shape_cast %mul3A_551 : vector<16xf32> to vector<1x16xf32>
      tpu.vector_store %arg12[%swap3A_556, %swap3A_557], %swap3A_560 {strides = array<i32>} : memref<128x128xf32, #tpu.memory_space<vmem>>, vector<1x16xf32>,
      %slice3A_561 = vector.extract_strided_slice %get3A_83 {offsets = [12], sizes = [1], strides = [1]} : vector<16xf32> to vector<1xf32>
      %squeeze3A_562 = vector.extract %slice3A_561[0] : f32 from vector<1xf32>
      %mul3A_563 = arith.constant 4 : i32
      %mul3A_564 = arith.muli %scan3A_79, %mul3A_563 : i32
      %add3A_565 = arith.constant 3 : i32
      %add3A_566 = arith.addi %mul3A_564, %add3A_565 : i32
      %get3A_567 = arith.index_cast %add3A_566 : i32 to index
      %get3A_568 = arith.constant 0 : index
      %get3A_569 = tpu.vector_load %arg12[%get3A_567, %get3A_568] {strides = array<i32>} : memref<128x128xf32, #tpu.memory_space<vmem>>, vector<1x16xf32>,
      %get3A_570 = vector.shape_cast %get3A_569 : vector<1x16xf32> to vector<16xf32>
      %mul3A_571 = vector.broadcast %squeeze3A_562 : f32 to vector<16xf32>
      %mul3A_572 = arith.mulf %get3A_570, %mul3A_571 : vector<16xf32>
      %mul3A_573 = arith.constant 4 : i32
      %mul3A_574 = arith.muli %scan3A_79, %mul3A_573 : i32
      %add3A_575 = arith.constant 3 : i32
      %add3A_576 = arith.addi %mul3A_574, %add3A_575 : i32
      %swap3A_577 = arith.index_cast %add3A_576 : i32 to index
      %swap3A_578 = arith.constant 0 : index
      %swap3A_579 = tpu.vector_load %arg12[%swap3A_577, %swap3A_578] {strides = array<i32>} : memref<128x128xf32, #tpu.memory_space<vmem>>, vector<1x16xf32>,
      %swap3A_580 = vector.shape_cast %swap3A_579 : vector<1x16xf32> to vector<16xf32>
      %swap3A_581 = vector.shape_cast %mul3A_572 : vector<16xf32> to vector<1x16xf32>
      tpu.vector_store %arg12[%swap3A_577, %swap3A_578], %swap3A_581 {strides = array<i32>} : memref<128x128xf32, #tpu.memory_space<vmem>>, vector<1x16xf32>,
      %mul3A_582 = arith.constant 4 : i32
      %mul3A_583 = arith.muli %scan3A_79, %mul3A_582 : i32
      %add3A_584 = arith.constant 3 : i32
      %add3A_585 = arith.addi %mul3A_583, %add3A_584 : i32
      %get3A_586 = arith.index_cast %add3A_585 : i32 to index
      %get3A_587 = arith.constant 16 : index
      %get3A_588 = tpu.vector_load %arg12[%get3A_586, %get3A_587] {strides = array<i32>} : memref<128x128xf32, #tpu.memory_space<vmem>>, vector<1x16xf32>,
      %get3A_589 = vector.shape_cast %get3A_588 : vector<1x16xf32> to vector<16xf32>
      %mul3A_590 = vector.broadcast %squeeze3A_562 : f32 to vector<16xf32>
      %mul3A_591 = arith.mulf %get3A_589, %mul3A_590 : vector<16xf32>
      %mul3A_592 = arith.constant 4 : i32
      %mul3A_593 = arith.muli %scan3A_79, %mul3A_592 : i32
      %add3A_594 = arith.constant 3 : i32
      %add3A_595 = arith.addi %mul3A_593, %add3A_594 : i32
      %swap3A_596 = arith.index_cast %add3A_595 : i32 to index
      %swap3A_597 = arith.constant 16 : index
      %swap3A_598 = tpu.vector_load %arg12[%swap3A_596, %swap3A_597] {strides = array<i32>} : memref<128x128xf32, #tpu.memory_space<vmem>>, vector<1x16xf32>,
      %swap3A_599 = vector.shape_cast %swap3A_598 : vector<1x16xf32> to vector<16xf32>
      %swap3A_600 = vector.shape_cast %mul3A_591 : vector<16xf32> to vector<1x16xf32>
      tpu.vector_store %arg12[%swap3A_596, %swap3A_597], %swap3A_600 {strides = array<i32>} : memref<128x128xf32, #tpu.memory_space<vmem>>, vector<1x16xf32>,
      %slice3A_601 = vector.extract_strided_slice %get3A_83 {offsets = [13], sizes = [1], strides = [1]} : vector<16xf32> to vector<1xf32>
      %squeeze3A_602 = vector.extract %slice3A_601[0] : f32 from vector<1xf32>
      %mul3A_603 = arith.constant 4 : i32
      %mul3A_604 = arith.muli %scan3A_79, %mul3A_603 : i32
      %add3A_605 = arith.constant 3 : i32
      %add3A_606 = arith.addi %mul3A_604, %add3A_605 : i32
      %get3A_607 = arith.index_cast %add3A_606 : i32 to index
      %get3A_608 = arith.constant 32 : index
      %get3A_609 = tpu.vector_load %arg12[%get3A_607, %get3A_608] {strides = array<i32>} : memref<128x128xf32, #tpu.memory_space<vmem>>, vector<1x16xf32>,
      %get3A_610 = vector.shape_cast %get3A_609 : vector<1x16xf32> to vector<16xf32>
      %mul3A_611 = vector.broadcast %squeeze3A_602 : f32 to vector<16xf32>
      %mul3A_612 = arith.mulf %get3A_610, %mul3A_611 : vector<16xf32>
      %mul3A_613 = arith.constant 4 : i32
      %mul3A_614 = arith.muli %scan3A_79, %mul3A_613 : i32
      %add3A_615 = arith.constant 3 : i32
      %add3A_616 = arith.addi %mul3A_614, %add3A_615 : i32
      %swap3A_617 = arith.index_cast %add3A_616 : i32 to index
      %swap3A_618 = arith.constant 32 : index
      %swap3A_619 = tpu.vector_load %arg12[%swap3A_617, %swap3A_618] {strides = array<i32>} : memref<128x128xf32, #tpu.memory_space<vmem>>, vector<1x16xf32>,
      %swap3A_620 = vector.shape_cast %swap3A_619 : vector<1x16xf32> to vector<16xf32>
      %swap3A_621 = vector.shape_cast %mul3A_612 : vector<16xf32> to vector<1x16xf32>
      tpu.vector_store %arg12[%swap3A_617, %swap3A_618], %swap3A_621 {strides = array<i32>} : memref<128x128xf32, #tpu.memory_space<vmem>>, vector<1x16xf32>,
      %mul3A_622 = arith.constant 4 : i32
      %mul3A_623 = arith.muli %scan3A_79, %mul3A_622 : i32
      %add3A_624 = arith.constant 3 : i32
      %add3A_625 = arith.addi %mul3A_623, %add3A_624 : i32
      %get3A_626 = arith.index_cast %add3A_625 : i32 to index
      %get3A_627 = arith.constant 48 : index
      %get3A_628 = tpu.vector_load %arg12[%get3A_626, %get3A_627] {strides = array<i32>} : memref<128x128xf32, #tpu.memory_space<vmem>>, vector<1x16xf32>,
      %get3A_629 = vector.shape_cast %get3A_628 : vector<1x16xf32> to vector<16xf32>
      %mul3A_630 = vector.broadcast %squeeze3A_602 : f32 to vector<16xf32>
      %mul3A_631 = arith.mulf %get3A_629, %mul3A_630 : vector<16xf32>
      %mul3A_632 = arith.constant 4 : i32
      %mul3A_633 = arith.muli %scan3A_79, %mul3A_632 : i32
      %add3A_634 = arith.constant 3 : i32
      %add3A_635 = arith.addi %mul3A_633, %add3A_634 : i32
      %swap3A_636 = arith.index_cast %add3A_635 : i32 to index
      %swap3A_637 = arith.constant 48 : index
      %swap3A_638 = tpu.vector_load %arg12[%swap3A_636, %swap3A_637] {strides = array<i32>} : memref<128x128xf32, #tpu.memory_space<vmem>>, vector<1x16xf32>,
      %swap3A_639 = vector.shape_cast %swap3A_638 : vector<1x16xf32> to vector<16xf32>
      %swap3A_640 = vector.shape_cast %mul3A_631 : vector<16xf32> to vector<1x16xf32>
      tpu.vector_store %arg12[%swap3A_636, %swap3A_637], %swap3A_640 {strides = array<i32>} : memref<128x128xf32, #tpu.memory_space<vmem>>, vector<1x16xf32>,
      %slice3A_641 = vector.extract_strided_slice %get3A_83 {offsets = [14], sizes = [1], strides = [1]} : vector<16xf32> to vector<1xf32>
      %squeeze3A_642 = vector.extract %slice3A_641[0] : f32 from vector<1xf32>
      %mul3A_643 = arith.constant 4 : i32
      %mul3A_644 = arith.muli %scan3A_79, %mul3A_643 : i32
      %add3A_645 = arith.constant 3 : i32
      %add3A_646 = arith.addi %mul3A_644, %add3A_645 : i32
      %get3A_647 = arith.index_cast %add3A_646 : i32 to index
      %get3A_648 = arith.constant 64 : index
      %get3A_649 = tpu.vector_load %arg12[%get3A_647, %get3A_648] {strides = array<i32>} : memref<128x128xf32, #tpu.memory_space<vmem>>, vector<1x16xf32>,
      %get3A_650 = vector.shape_cast %get3A_649 : vector<1x16xf32> to vector<16xf32>
      %mul3A_651 = vector.broadcast %squeeze3A_642 : f32 to vector<16xf32>
      %mul3A_652 = arith.mulf %get3A_650, %mul3A_651 : vector<16xf32>
      %mul3A_653 = arith.constant 4 : i32
      %mul3A_654 = arith.muli %scan3A_79, %mul3A_653 : i32
      %add3A_655 = arith.constant 3 : i32
      %add3A_656 = arith.addi %mul3A_654, %add3A_655 : i32
      %swap3A_657 = arith.index_cast %add3A_656 : i32 to index
      %swap3A_658 = arith.constant 64 : index
      %swap3A_659 = tpu.vector_load %arg12[%swap3A_657, %swap3A_658] {strides = array<i32>} : memref<128x128xf32, #tpu.memory_space<vmem>>, vector<1x16xf32>,
      %swap3A_660 = vector.shape_cast %swap3A_659 : vector<1x16xf32> to vector<16xf32>
      %swap3A_661 = vector.shape_cast %mul3A_652 : vector<16xf32> to vector<1x16xf32>
      tpu.vector_store %arg12[%swap3A_657, %swap3A_658], %swap3A_661 {strides = array<i32>} : memref<128x128xf32, #tpu.memory_space<vmem>>, vector<1x16xf32>,
      %mul3A_662 = arith.constant 4 : i32
      %mul3A_663 = arith.muli %scan3A_79, %mul3A_662 : i32
      %add3A_664 = arith.constant 3 : i32
      %add3A_665 = arith.addi %mul3A_663, %add3A_664 : i32
      %get3A_666 = arith.index_cast %add3A_665 : i32 to index
      %get3A_667 = arith.constant 80 : index
      %get3A_668 = tpu.vector_load %arg12[%get3A_666, %get3A_667] {strides = array<i32>} : memref<128x128xf32, #tpu.memory_space<vmem>>, vector<1x16xf32>,
      %get3A_669 = vector.shape_cast %get3A_668 : vector<1x16xf32> to vector<16xf32>
      %mul3A_670 = vector.broadcast %squeeze3A_642 : f32 to vector<16xf32>
      %mul3A_671 = arith.mulf %get3A_669, %mul3A_670 : vector<16xf32>
      %mul3A_672 = arith.constant 4 : i32
      %mul3A_673 = arith.muli %scan3A_79, %mul3A_672 : i32
      %add3A_674 = arith.constant 3 : i32
      %add3A_675 = arith.addi %mul3A_673, %add3A_674 : i32
      %swap3A_676 = arith.index_cast %add3A_675 : i32 to index
      %swap3A_677 = arith.constant 80 : index
      %swap3A_678 = tpu.vector_load %arg12[%swap3A_676, %swap3A_677] {strides = array<i32>} : memref<128x128xf32, #tpu.memory_space<vmem>>, vector<1x16xf32>,
      %swap3A_679 = vector.shape_cast %swap3A_678 : vector<1x16xf32> to vector<16xf32>
      %swap3A_680 = vector.shape_cast %mul3A_671 : vector<16xf32> to vector<1x16xf32>
      tpu.vector_store %arg12[%swap3A_676, %swap3A_677], %swap3A_680 {strides = array<i32>} : memref<128x128xf32, #tpu.memory_space<vmem>>, vector<1x16xf32>,
      %slice3A_681 = vector.extract_strided_slice %get3A_83 {offsets = [15], sizes = [1], strides = [1]} : vector<16xf32> to vector<1xf32>
      %squeeze3A_682 = vector.extract %slice3A_681[0] : f32 from vector<1xf32>
      %mul3A_683 = arith.constant 4 : i32
      %mul3A_684 = arith.muli %scan3A_79, %mul3A_683 : i32
      %add3A_685 = arith.constant 3 : i32
      %add3A_686 = arith.addi %mul3A_684, %add3A_685 : i32
      %get3A_687 = arith.index_cast %add3A_686 : i32 to index
      %get3A_688 = arith.constant 96 : index
      %get3A_689 = tpu.vector_load %arg12[%get3A_687, %get3A_688] {strides = array<i32>} : memref<128x128xf32, #tpu.memory_space<vmem>>, vector<1x16xf32>,
      %get3A_690 = vector.shape_cast %get3A_689 : vector<1x16xf32> to vector<16xf32>
      %mul3A_691 = vector.broadcast %squeeze3A_682 : f32 to vector<16xf32>
      %mul3A_692 = arith.mulf %get3A_690, %mul3A_691 : vector<16xf32>
      %mul3A_693 = arith.constant 4 : i32
      %mul3A_694 = arith.muli %scan3A_79, %mul3A_693 : i32
      %add3A_695 = arith.constant 3 : i32
      %add3A_696 = arith.addi %mul3A_694, %add3A_695 : i32
      %swap3A_697 = arith.index_cast %add3A_696 : i32 to index
      %swap3A_698 = arith.constant 96 : index
      %swap3A_699 = tpu.vector_load %arg12[%swap3A_697, %swap3A_698] {strides = array<i32>} : memref<128x128xf32, #tpu.memory_space<vmem>>, vector<1x16xf32>,
      %swap3A_700 = vector.shape_cast %swap3A_699 : vector<1x16xf32> to vector<16xf32>
      %swap3A_701 = vector.shape_cast %mul3A_692 : vector<16xf32> to vector<1x16xf32>
      tpu.vector_store %arg12[%swap3A_697, %swap3A_698], %swap3A_701 {strides = array<i32>} : memref<128x128xf32, #tpu.memory_space<vmem>>, vector<1x16xf32>,
      %mul3A_702 = arith.constant 4 : i32
      %mul3A_703 = arith.muli %scan3A_79, %mul3A_702 : i32
      %add3A_704 = arith.constant 3 : i32
      %add3A_705 = arith.addi %mul3A_703, %add3A_704 : i32
      %get3A_706 = arith.index_cast %add3A_705 : i32 to index
      %get3A_707 = arith.constant 112 : index
      %get3A_708 = tpu.vector_load %arg12[%get3A_706, %get3A_707] {strides = array<i32>} : memref<128x128xf32, #tpu.memory_space<vmem>>, vector<1x16xf32>,
      %get3A_709 = vector.shape_cast %get3A_708 : vector<1x16xf32> to vector<16xf32>
      %mul3A_710 = vector.broadcast %squeeze3A_682 : f32 to vector<16xf32>
      %mul3A_711 = arith.mulf %get3A_709, %mul3A_710 : vector<16xf32>
      %mul3A_712 = arith.constant 4 : i32
      %mul3A_713 = arith.muli %scan3A_79, %mul3A_712 : i32
      %add3A_714 = arith.constant 3 : i32
      %add3A_715 = arith.addi %mul3A_713, %add3A_714 : i32
      %swap3A_716 = arith.index_cast %add3A_715 : i32 to index
      %swap3A_717 = arith.constant 112 : index
      %swap3A_718 = tpu.vector_load %arg12[%swap3A_716, %swap3A_717] {strides = array<i32>} : memref<128x128xf32, #tpu.memory_space<vmem>>, vector<1x16xf32>,
      %swap3A_719 = vector.shape_cast %swap3A_718 : vector<1x16xf32> to vector<16xf32>
      %swap3A_720 = vector.shape_cast %mul3A_711 : vector<16xf32> to vector<1x16xf32>
      tpu.vector_store %arg12[%swap3A_716, %swap3A_717], %swap3A_720 {strides = array<i32>} : memref<128x128xf32, #tpu.memory_space<vmem>>, vector<1x16xf32>,
    }
    %scan3A_57 = arith.constant 4 : i32
    "tpu.region"() ({
      %run_scoped3A = tpu.sem_alloc : memref<!tpu.dma_semaphore, #tpu.memory_space<semaphore_mem>>
      %dma_start3A_79 = arith.constant 0 : i32
      %dma_start3A_80 = arith.constant 0 : i32
      %dma_start3A_81 = tpu.memref_slice %arg12[%dma_start3A_79, %dma_start3A_80] : memref<128x128xf32, #tpu.memory_space<vmem>> -> memref<16x128xf32, #tpu.memory_space<vmem>>
      %dma_start3A_82 = arith.constant 0 : i32
      %dma_start3A_83 = arith.constant 0 : i32
      %dma_start3A_84 = tpu.memref_slice %arg7[%dma_start3A_82, %dma_start3A_83] : memref<10240x128xf32, #tpu.memory_space<vmem_shared>> -> memref<10240x128xf32, #tpu.memory_space<vmem_shared>>
      tpu.enqueue_indirect_dma source(%dma_start3A_81 : memref<16x128xf32, #tpu.memory_space<vmem>>) target(%dma_start3A_84 : memref<10240x128xf32, #tpu.memory_space<vmem_shared>>) offsets(%arg10 : memref<16xi32, #tpu.memory_space<vmem>>) semaphore(%run_scoped3A : memref<!tpu.dma_semaphore, #tpu.memory_space<semaphore_mem>>) {add = true}
      %dma_wait3A_85 = arith.constant 0 : i32
      %dma_wait3A_86 = arith.constant 0 : i32
      %dma_wait3A_87 = tpu.memref_slice %arg12[%dma_wait3A_85, %dma_wait3A_86] : memref<128x128xf32, #tpu.memory_space<vmem>> -> memref<16x128xf32, #tpu.memory_space<vmem>>
      %dma_wait3A_88 = arith.constant 0 : i32
      %dma_wait3A_89 = arith.constant 0 : i32
      %dma_wait3A_90 = tpu.memref_slice %arg7[%dma_wait3A_88, %dma_wait3A_89] : memref<10240x128xf32, #tpu.memory_space<vmem_shared>> -> memref<10240x128xf32, #tpu.memory_space<vmem_shared>>
      tpu.wait_indirect_dma semaphore(%run_scoped3A : memref<!tpu.dma_semaphore, #tpu.memory_space<semaphore_mem>>) src(%dma_wait3A_87 : memref<16x128xf32, #tpu.memory_space<vmem>>) dst(%dma_wait3A_90 : memref<10240x128xf32, #tpu.memory_space<vmem_shared>>)
      tpu.yield
    }) : () -> ()
    %barrier3A_58 = arith.constant 0 : index
    tpu.barrier barrier_id(%barrier3A_58)
    %mul3A_59 = arith.constant 640 : i32
    %mul3A_60 = arith.muli %arg1, %mul3A_59 : i32
    %add3A_61 = arith.constant 0 : i32
    %add3A_62 = arith.addi %mul3A_60, %add3A_61 : i32
    "tpu.region"() ({
      %run_scoped3A = tpu.sem_alloc : memref<!tpu.dma_semaphore, #tpu.memory_space<semaphore_mem>>
      %dma_start3A_79 = arith.constant 0 : i32
      %dma_start3A_80 = tpu.memref_slice %arg6[%arg0, %add3A_62, %dma_start3A_79] : memref<2x10240x128xf32, #tpu.memory_space<hbm>> -> memref<1x128x128xf32, #tpu.memory_space<hbm>>
      %dma_start3A_81 = tpu.memref_squeeze %dma_start3A_80 : memref<1x128x128xf32, #tpu.memory_space<hbm>> -> memref<128x128xf32, #tpu.memory_space<hbm>>
      %dma_start3A_82 = arith.constant 0 : i32
      %dma_start3A_83 = tpu.memref_slice %arg7[%add3A_62, %dma_start3A_82] : memref<10240x128xf32, #tpu.memory_space<vmem_shared>> -> memref<128x128xf32, #tpu.memory_space<vmem_shared>>
      tpu.enqueue_dma source(%dma_start3A_83 : memref<128x128xf32, #tpu.memory_space<vmem_shared>>) target(%dma_start3A_81 : memref<128x128xf32, #tpu.memory_space<hbm>>) target_semaphore(%run_scoped3A : memref<!tpu.dma_semaphore, #tpu.memory_space<semaphore_mem>>)
      %dma_wait3A_84 = arith.constant 0 : i32
      %dma_wait3A_85 = tpu.memref_slice %arg6[%arg0, %add3A_62, %dma_wait3A_84] : memref<2x10240x128xf32, #tpu.memory_space<hbm>> -> memref<1x128x128xf32, #tpu.memory_space<hbm>>
      %dma_wait3A_86 = tpu.memref_squeeze %dma_wait3A_85 : memref<1x128x128xf32, #tpu.memory_space<hbm>> -> memref<128x128xf32, #tpu.memory_space<hbm>>
      %dma_wait3A_87 = arith.constant 0 : i32
      %dma_wait3A_88 = tpu.memref_slice %arg7[%add3A_62, %dma_wait3A_87] : memref<10240x128xf32, #tpu.memory_space<vmem_shared>> -> memref<128x128xf32, #tpu.memory_space<vmem_shared>>
      tpu.wait_dma2 semaphore(%run_scoped3A : memref<!tpu.dma_semaphore, #tpu.memory_space<semaphore_mem>>) src(%dma_wait3A_88 : memref<128x128xf32, #tpu.memory_space<vmem_shared>>) dst(%dma_wait3A_86 : memref<128x128xf32, #tpu.memory_space<hbm>>)
      tpu.yield
    }) : () -> ()
    %mul3A_63 = arith.constant 640 : i32
    %mul3A_64 = arith.muli %arg1, %mul3A_63 : i32
    %add3A_65 = arith.constant 128 : i32
    %add3A_66 = arith.addi %mul3A_64, %add3A_65 : i32
    "tpu.region"() ({
      %run_scoped3A = tpu.sem_alloc : memref<!tpu.dma_semaphore, #tpu.memory_space<semaphore_mem>>
      %dma_start3A_79 = arith.constant 0 : i32
      %dma_start3A_80 = tpu.memref_slice %arg6[%arg0, %add3A_66, %dma_start3A_79] : memref<2x10240x128xf32, #tpu.memory_space<hbm>> -> memref<1x128x128xf32, #tpu.memory_space<hbm>>
      %dma_start3A_81 = tpu.memref_squeeze %dma_start3A_80 : memref<1x128x128xf32, #tpu.memory_space<hbm>> -> memref<128x128xf32, #tpu.memory_space<hbm>>
      %dma_start3A_82 = arith.constant 0 : i32
      %dma_start3A_83 = tpu.memref_slice %arg7[%add3A_66, %dma_start3A_82] : memref<10240x128xf32, #tpu.memory_space<vmem_shared>> -> memref<128x128xf32, #tpu.memory_space<vmem_shared>>
      tpu.enqueue_dma source(%dma_start3A_83 : memref<128x128xf32, #tpu.memory_space<vmem_shared>>) target(%dma_start3A_81 : memref<128x128xf32, #tpu.memory_space<hbm>>) target_semaphore(%run_scoped3A : memref<!tpu.dma_semaphore, #tpu.memory_space<semaphore_mem>>)
      %dma_wait3A_84 = arith.constant 0 : i32
      %dma_wait3A_85 = tpu.memref_slice %arg6[%arg0, %add3A_66, %dma_wait3A_84] : memref<2x10240x128xf32, #tpu.memory_space<hbm>> -> memref<1x128x128xf32, #tpu.memory_space<hbm>>
      %dma_wait3A_86 = tpu.memref_squeeze %dma_wait3A_85 : memref<1x128x128xf32, #tpu.memory_space<hbm>> -> memref<128x128xf32, #tpu.memory_space<hbm>>
      %dma_wait3A_87 = arith.constant 0 : i32
      %dma_wait3A_88 = tpu.memref_slice %arg7[%add3A_66, %dma_wait3A_87] : memref<10240x128xf32, #tpu.memory_space<vmem_shared>> -> memref<128x128xf32, #tpu.memory_space<vmem_shared>>
      tpu.wait_dma2 semaphore(%run_scoped3A : memref<!tpu.dma_semaphore, #tpu.memory_space<semaphore_mem>>) src(%dma_wait3A_88 : memref<128x128xf32, #tpu.memory_space<vmem_shared>>) dst(%dma_wait3A_86 : memref<128x128xf32, #tpu.memory_space<hbm>>)
      tpu.yield
    }) : () -> ()
    %mul3A_67 = arith.constant 640 : i32
    %mul3A_68 = arith.muli %arg1, %mul3A_67 : i32
    %add3A_69 = arith.constant 256 : i32
    %add3A_70 = arith.addi %mul3A_68, %add3A_69 : i32
    "tpu.region"() ({
      %run_scoped3A = tpu.sem_alloc : memref<!tpu.dma_semaphore, #tpu.memory_space<semaphore_mem>>
      %dma_start3A_79 = arith.constant 0 : i32
      %dma_start3A_80 = tpu.memref_slice %arg6[%arg0, %add3A_70, %dma_start3A_79] : memref<2x10240x128xf32, #tpu.memory_space<hbm>> -> memref<1x128x128xf32, #tpu.memory_space<hbm>>
      %dma_start3A_81 = tpu.memref_squeeze %dma_start3A_80 : memref<1x128x128xf32, #tpu.memory_space<hbm>> -> memref<128x128xf32, #tpu.memory_space<hbm>>
      %dma_start3A_82 = arith.constant 0 : i32
      %dma_start3A_83 = tpu.memref_slice %arg7[%add3A_70, %dma_start3A_82] : memref<10240x128xf32, #tpu.memory_space<vmem_shared>> -> memref<128x128xf32, #tpu.memory_space<vmem_shared>>
      tpu.enqueue_dma source(%dma_start3A_83 : memref<128x128xf32, #tpu.memory_space<vmem_shared>>) target(%dma_start3A_81 : memref<128x128xf32, #tpu.memory_space<hbm>>) target_semaphore(%run_scoped3A : memref<!tpu.dma_semaphore, #tpu.memory_space<semaphore_mem>>)
      %dma_wait3A_84 = arith.constant 0 : i32
      %dma_wait3A_85 = tpu.memref_slice %arg6[%arg0, %add3A_70, %dma_wait3A_84] : memref<2x10240x128xf32, #tpu.memory_space<hbm>> -> memref<1x128x128xf32, #tpu.memory_space<hbm>>
      %dma_wait3A_86 = tpu.memref_squeeze %dma_wait3A_85 : memref<1x128x128xf32, #tpu.memory_space<hbm>> -> memref<128x128xf32, #tpu.memory_space<hbm>>
      %dma_wait3A_87 = arith.constant 0 : i32
      %dma_wait3A_88 = tpu.memref_slice %arg7[%add3A_70, %dma_wait3A_87] : memref<10240x128xf32, #tpu.memory_space<vmem_shared>> -> memref<128x128xf32, #tpu.memory_space<vmem_shared>>
      tpu.wait_dma2 semaphore(%run_scoped3A : memref<!tpu.dma_semaphore, #tpu.memory_space<semaphore_mem>>) src(%dma_wait3A_88 : memref<128x128xf32, #tpu.memory_space<vmem_shared>>) dst(%dma_wait3A_86 : memref<128x128xf32, #tpu.memory_space<hbm>>)
      tpu.yield
    }) : () -> ()
    %mul3A_71 = arith.constant 640 : i32
    %mul3A_72 = arith.muli %arg1, %mul3A_71 : i32
    %add3A_73 = arith.constant 384 : i32
    %add3A_74 = arith.addi %mul3A_72, %add3A_73 : i32
    "tpu.region"() ({
      %run_scoped3A = tpu.sem_alloc : memref<!tpu.dma_semaphore, #tpu.memory_space<semaphore_mem>>
      %dma_start3A_79 = arith.constant 0 : i32
      %dma_start3A_80 = tpu.memref_slice %arg6[%arg0, %add3A_74, %dma_start3A_79] : memref<2x10240x128xf32, #tpu.memory_space<hbm>> -> memref<1x128x128xf32, #tpu.memory_space<hbm>>
      %dma_start3A_81 = tpu.memref_squeeze %dma_start3A_80 : memref<1x128x128xf32, #tpu.memory_space<hbm>> -> memref<128x128xf32, #tpu.memory_space<hbm>>
      %dma_start3A_82 = arith.constant 0 : i32
      %dma_start3A_83 = tpu.memref_slice %arg7[%add3A_74, %dma_start3A_82] : memref<10240x128xf32, #tpu.memory_space<vmem_shared>> -> memref<128x128xf32, #tpu.memory_space<vmem_shared>>
      tpu.enqueue_dma source(%dma_start3A_83 : memref<128x128xf32, #tpu.memory_space<vmem_shared>>) target(%dma_start3A_81 : memref<128x128xf32, #tpu.memory_space<hbm>>) target_semaphore(%run_scoped3A : memref<!tpu.dma_semaphore, #tpu.memory_space<semaphore_mem>>)
      %dma_wait3A_84 = arith.constant 0 : i32
      %dma_wait3A_85 = tpu.memref_slice %arg6[%arg0, %add3A_74, %dma_wait3A_84] : memref<2x10240x128xf32, #tpu.memory_space<hbm>> -> memref<1x128x128xf32, #tpu.memory_space<hbm>>
      %dma_wait3A_86 = tpu.memref_squeeze %dma_wait3A_85 : memref<1x128x128xf32, #tpu.memory_space<hbm>> -> memref<128x128xf32, #tpu.memory_space<hbm>>
      %dma_wait3A_87 = arith.constant 0 : i32
      %dma_wait3A_88 = tpu.memref_slice %arg7[%add3A_74, %dma_wait3A_87] : memref<10240x128xf32, #tpu.memory_space<vmem_shared>> -> memref<128x128xf32, #tpu.memory_space<vmem_shared>>
      tpu.wait_dma2 semaphore(%run_scoped3A : memref<!tpu.dma_semaphore, #tpu.memory_space<semaphore_mem>>) src(%dma_wait3A_88 : memref<128x128xf32, #tpu.memory_space<vmem_shared>>) dst(%dma_wait3A_86 : memref<128x128xf32, #tpu.memory_space<hbm>>)
      tpu.yield
    }) : () -> ()
    %mul3A_75 = arith.constant 640 : i32
    %mul3A_76 = arith.muli %arg1, %mul3A_75 : i32
    %add3A_77 = arith.constant 512 : i32
    %add3A_78 = arith.addi %mul3A_76, %add3A_77 : i32
    "tpu.region"() ({
      %run_scoped3A = tpu.sem_alloc : memref<!tpu.dma_semaphore, #tpu.memory_space<semaphore_mem>>
      %dma_start3A_79 = arith.constant 0 : i32
      %dma_start3A_80 = tpu.memref_slice %arg6[%arg0, %add3A_78, %dma_start3A_79] : memref<2x10240x128xf32, #tpu.memory_space<hbm>> -> memref<1x128x128xf32, #tpu.memory_space<hbm>>
      %dma_start3A_81 = tpu.memref_squeeze %dma_start3A_80 : memref<1x128x128xf32, #tpu.memory_space<hbm>> -> memref<128x128xf32, #tpu.memory_space<hbm>>
      %dma_start3A_82 = arith.constant 0 : i32
      %dma_start3A_83 = tpu.memref_slice %arg7[%add3A_78, %dma_start3A_82] : memref<10240x128xf32, #tpu.memory_space<vmem_shared>> -> memref<128x128xf32, #tpu.memory_space<vmem_shared>>
      tpu.enqueue_dma source(%dma_start3A_83 : memref<128x128xf32, #tpu.memory_space<vmem_shared>>) target(%dma_start3A_81 : memref<128x128xf32, #tpu.memory_space<hbm>>) target_semaphore(%run_scoped3A : memref<!tpu.dma_semaphore, #tpu.memory_space<semaphore_mem>>)
      %dma_wait3A_84 = arith.constant 0 : i32
      %dma_wait3A_85 = tpu.memref_slice %arg6[%arg0, %add3A_78, %dma_wait3A_84] : memref<2x10240x128xf32, #tpu.memory_space<hbm>> -> memref<1x128x128xf32, #tpu.memory_space<hbm>>
      %dma_wait3A_86 = tpu.memref_squeeze %dma_wait3A_85 : memref<1x128x128xf32, #tpu.memory_space<hbm>> -> memref<128x128xf32, #tpu.memory_space<hbm>>
      %dma_wait3A_87 = arith.constant 0 : i32
      %dma_wait3A_88 = tpu.memref_slice %arg7[%add3A_78, %dma_wait3A_87] : memref<10240x128xf32, #tpu.memory_space<vmem_shared>> -> memref<128x128xf32, #tpu.memory_space<vmem_shared>>
      tpu.wait_dma2 semaphore(%run_scoped3A : memref<!tpu.dma_semaphore, #tpu.memory_space<semaphore_mem>>) src(%dma_wait3A_88 : memref<128x128xf32, #tpu.memory_space<vmem_shared>>) dst(%dma_wait3A_86 : memref<128x128xf32, #tpu.memory_space<hbm>>)
      tpu.yield
    }) : () -> ()
    return
  }
}

</mosaic_0001>

<sc_bundles>
// kernel: kernel.3.cloned.1.call-start
scs
__scs_entry_jumppad:
0x0: {  	(pc) =	sbr.rel $0x88, $3  }
0x1: {  	(tag) =	ssettag $0x0;
	lr =	simm.s32 $0x1  }
0x2: {  	[smem:$0x3F9D] =	sst lr;
	_ =	strace $0xD0000000  }
0x3: {  	_ = 	snop  }
0x4: {  	_ = 	snop  }
0x5: {  	_ = 	snop  }
0x6: {  	_ = 	snop  }
0x7: {  	_ = 	snop  }
__scs_overlays_trampoline_lowered:
0x8: {  	[smem:$0x3FAC] =	sst s0  }
0x9: {  	[smem:$0x3FAD] =	sst s1  }
0xa: {  	[smem:$0x3FAE] =	sst s2  }
0xb: {  	[smem:$0x3FAF] =	sst s3  }
0xc: {  	[smem:$0x3FB0] =	sst s4  }
0xd: {  	[smem:$0x3FB1] =	sst s5  }
0xe: {  	[smem:$0x3FB2] =	sst s6  }
0xf: {  	[smem:$0x3FB3] =	sst s7  }
0x10: {  	[smem:$0x3FB4] =	sst s8  }
0x11: {  	[smem:$0x3FB5] =	sst s9;
	s0 =	simm.s32 @!p0 $0x0  }
0x12: {  	s1 =	sld [smem:$0x3F9B];
	s0 =	simm.s32 @p0 $0x1  }
0x13: {  	[smem:$0x3FB6] =	sst s0;
	s0 =	simm.s32 @!p1 $0x0  }
0x14: {  	s2 =	sld [smem:$0x3F9A];
	s0 =	simm.s32 @p1 $0x1  }
0x15: {  	[smem:$0x3FB7] =	sst s0;
	s0 =	simm.s32 @!p2 $0x0  }
0x16: {  	s3 =	sld [smem:$0x3FDB];
	s0 =	simm.s32 @p2 $0x1  }
0x17: {  	s4 =	simm.s32 $0x1BF5;
	[smem:$0x3FB9] =	sst s0  }
0x18: {  	s0 =	sld [smem:$0x3F9C];
	_ =	swait.ge [sflag:s4], $0x0  }
0x19: {  	s7 =	sld [smem:$0x3F9D]  }
0x1a: {  	s8 =	sadd.s32 $0xFFFFE003, lr  }
0x1b: {  	s9 =	sadd.s32 $0xFFFFFEF7, lr;
	s5 =	simm.s32 $0xFFFFFFFF;
	p2 =	slt.u32 s8, $0xFFFFF086  }
0x1c: {  	p1 =	slt.u32 s9, $0xF7A;
	s5 =	simm.s32 @!p2 $0x0  }
0x1d: {  	s5 =	simm.s32 @p1 $0x1;
	p0 =	seq.s32 s7, s2  }
0x1e: {  	s7 =	smul.u32 @!p0 $0xF7A, s2;
	p2 =	seq.s32 @!p0 s5, $0x0  }
0x1f: {  	s9 =	smul.u32 $0xF7A, s1;
	s8 =	simm.s32 @!p0 $0x1BF5;
	p2 =	por !p2, p0  }
0x20: {  	[sflag:s8] =	ssyncset.s32 @!p0 $0xFFFFF086;
	s6 =	sadd.s32 @!p0 s3, s7;
	s7 =	simm.s32 @!p0 $0x108  }
0x21: {  	s3 =	sadd.s32 s3, s9;
	s6 =	sadd.s32 @!p0 $0x88, s6;
	s7 =	simm.s32 @p2 $0x1082  }
0x22: {  	[simem:s7], [sflag:s8] =	dma.local @!p0 [hbm:s6], $0xF7A  }
0x23: {  	s9 =	sor.u32 $0xD0000000, s2;
	s6 =	simm.s32 $0x108;
	_ =	swait.ge @!p0 [sflag:s8], $0x0  }
0x24: {  	s3 =	sadd.s32 $0x88, s3;
	s6 =	simm.s32 @!p1 $0x1082;
	[sflag:s4] =	ssyncset.s32 $0xFFFFF086  }
0x25: {  	[simem:s6], [sflag:s4] =	dma.local [hbm:s3], $0xF7A  }
0x26: {  	[smem:$0x3F9D] =	sst s1;
	(tag) =	ssettag s2;
	_ =	strace s9  }
0x27: {  	s1 =	sld [smem:$0x3FAD]  }
0x28: {  	s2 =	sld [smem:$0x3FAE]  }
0x29: {  	s4 =	sld [smem:$0x3FB0]  }
0x2a: {  	p0 =	seq.s32 s5, $0x0;
	s5 =	sld [smem:$0x3FB1]  }
0x2b: {  	s6 =	sld [smem:$0x3FB2]  }
0x2c: {  	s7 =	sld [smem:$0x3FB3]  }
0x2d: {  	s3 =	simm.s32 $0x108;
	s8 =	sld [smem:$0x3FB4]  }
0x2e: {  	s3 =	simm.s32 @!p0 $0x1082;
	s9 =	sld [smem:$0x3FB5]  }
0x2f: {  	lr =	sadd.s32 s0, s3;
	s0 =	sld [smem:$0x3FAC]  }
0x30: {  	s3 =	sld [smem:$0x3FAF]  }
0x31: {  	[smem:$0x3FB8] =	sst s10  }
0x32: {  	s10 =	sld [smem:$0x3FB6];
	_ =	sdelay $0x3  }
0x33: {  	p0 =	seq.s32 s10, $0x1;
	s10 =	sld [smem:$0x3FB8];
	_ =	sdelay $0x3  }
0x34: {  	[smem:$0x3FB8] =	sst s10  }
0x35: {  	s10 =	sld [smem:$0x3FB7];
	_ =	sdelay $0x3  }
0x36: {  	p1 =	seq.s32 s10, $0x1;
	s10 =	sld [smem:$0x3FB8];
	_ =	sdelay $0x3  }
0x37: {  	[smem:$0x3FB8] =	sst s10  }
0x38: {  	s10 =	sld [smem:$0x3FB9]  }
0x39: {  	_ = 	snop;
	(pc) =	sbr.ind lr, $3  }
0x3a: {  	_ = 	snop  }
0x3b: {  	_ = 	snop  }
0x3c: {  	p2 =	seq.s32 s10, $0x1;
	s10 =	sld [smem:$0x3FB8]  }
0x3d: {  	_ =	shalt  }
0x3e: {  	_ =	shalt  }
0x3f: {  	_ =	shalt  }
0x40: {  	_ =	shalt  }
0x41: {  	_ =	shalt  }
0x42: {  	_ =	shalt  }
0x43: {  	_ =	shalt  }
0x44: {  	_ =	shalt  }
0x45: {  	_ =	shalt  }
0x46: {  	_ =	shalt  }
0x47: {  	_ =	shalt  }
0x48: {  	_ =	shalt  }
0x49: {  	_ =	shalt  }
0x4a: {  	_ =	shalt  }
0x4b: {  	_ =	shalt  }
0x4c: {  	_ =	shalt  }
0x4d: {  	_ =	shalt  }
0x4e: {  	_ =	shalt  }
0x4f: {  	_ =	shalt  }
0x50: {  	_ =	shalt  }
0x51: {  	_ =	shalt  }
0x52: {  	_ =	shalt  }
0x53: {  	_ =	shalt  }
0x54: {  	_ =	shalt  }
0x55: {  	_ =	shalt  }
0x56: {  	_ =	shalt  }
0x57: {  	_ =	shalt  }
0x58: {  	_ =	shalt  }
0x59: {  	_ =	shalt  }
0x5a: {  	_ =	shalt  }
0x5b: {  	_ =	shalt  }
0x5c: {  	_ =	shalt  }
0x5d: {  	_ =	shalt  }
0x5e: {  	_ =	shalt  }
0x5f: {  	_ =	shalt  }
0x60: {  	_ =	shalt  }
0x61: {  	_ =	shalt  }
0x62: {  	_ =	shalt  }
0x63: {  	_ =	shalt  }
0x64: {  	_ =	shalt  }
0x65: {  	_ =	shalt  }
0x66: {  	_ =	shalt  }
0x67: {  	_ =	shalt  }
0x68: {  	_ =	shalt  }
0x69: {  	_ =	shalt  }
0x6a: {  	_ =	shalt  }
0x6b: {  	_ =	shalt  }
0x6c: {  	_ =	shalt  }
0x6d: {  	_ =	shalt  }
0x6e: {  	_ =	shalt  }
0x6f: {  	_ =	shalt  }
0x70: {  	_ =	shalt  }
0x71: {  	_ =	shalt  }
0x72: {  	_ =	shalt  }
0x73: {  	_ =	shalt  }
0x74: {  	_ =	shalt  }
0x75: {  	_ =	shalt  }
0x76: {  	_ =	shalt  }
0x77: {  	_ =	shalt  }
0x78: {  	_ =	shalt  }
0x79: {  	_ =	shalt  }
0x7a: {  	_ =	shalt  }
0x7b: {  	_ =	shalt  }
0x7c: {  	_ =	shalt  }
0x7d: {  	_ =	shalt  }
0x7e: {  	_ =	shalt  }
0x7f: {  	_ =	shalt  }
0x80: {  	_ =	shalt  }
0x81: {  	_ =	shalt  }
0x82: {  	_ =	shalt  }
0x83: {  	_ =	shalt  }
0x84: {  	_ =	shalt  }
0x85: {  	_ =	shalt  }
0x86: {  	_ =	shalt  }
0x87: {  	_ =	shalt  }
.Lfunc_end0:
.L_simem_size_0:
called_computation_lowered:
.L_overlay_start_0:
0x88: {  	s2 =	sld [smem:$0x3FD9]  }
0x89: {  	s3 =	sld [smem:$0x3FFE];
	_ =	sdelay $0x1  }
0x8a: {  	s1 =	srdreg.scid  }
0x8b: {  	s0 =	sand.u32 $0x1, s1  }
0x8c: {  	s17 =	sshll.u32 s0, $0xA;
	s2 =	sadd.s32 s3, s2  }
0x8d: {  	s2 =	sadd.s32 s2, s17  }
0x8e: {  	[smem:$0x3FC4] =	sst s2  }
0x8f: {  	_ = 	snop  }
0x90: {  	s2 =	sld [smem:$0x3FC9]  }
0x91: {  	s18 =	sld [smem:$0x3FC7]  }
0x92: {  	s4 =	sld [smem:$0x3FC6]  }
0x93: {  	s5 =	sld [smem:$0x3FD0];
	(tm) =	ssettm $0x1  }
0x94: {  	s6 =	sld [smem:$0x3FFB];
	_ =	sdelay $0x3  }
0x95: {  	_ =	strace s6  }
0x96: {  	s6 =	sld [smem:$0x3FFC];
	_ =	sdelay $0x3  }
0x97: {  	_ =	strace s6  }
0x98: {  	s6 =	sld [smem:$0x3FFD];
	_ =	sdelay $0x3  }
0x99: {  	_ =	strace s6  }
0x9a: {  	_ =	strace $0x8FFFFFFF  }
0x9b: {  	s19 =	sld [smem:$0x3FDB];
	_ =	sdelay $0x1  }
0x9c: {  	s7 =	simm.s32 $_scs_section_size  }
0x9d: {  	s8 =	simm.s32 $_size__tile_overlayer_lowered;
	s9 =	simm.s32 $_tile_overlayer_lowered  }
0x9e: {  	s22 =	simm.s32 $0x1BFF;
	s21 =	sshll.u32 s9, $0x1;
	s6 =	sadd.s32 s7, s19  }
0x9f: {  	s10 =	simm.s32 $0x0;
	s20 =	sshll.u32 s8, $0x1;
	s8 =	sadd.s32 s21, s6  }
0xa0: {  	[timem:s10], [sflag:s22] =	dma.local [hbm:s8], s20  }
0xa1: {  	_ =	swait.ge [sflag:s22], s20  }
0xa2: {  	s7 =	ssub.s32 $0x0, s20;
	[sflag:s22] =	ssyncset.done $0x0  }
0xa3: {  	[sflag:s22] =	ssyncadd.s32 s7;
	_ =	sdelay $0x1  }
0xa4: {  	s23 =	simm.s32 $0x1B8B  }
0xa5: {  	_ =	swait.ge [sflag:s23], $0x1  }
0xa6: {  	[sflag:s23] =	ssyncset.done $0x0  }
0xa7: {  	s25 =	simm.s32 $0x1B8E;
	s24 =	sld [smem:$0x3FFE];
	[sflag:s23] =	ssyncadd.s32 $0xFFFFFFFF  }
0xa8: {  	s26 =	simm.s32 $execute0_lowered;
	[smem:$0x3FD2] =	sst s25  }
0xa9: {  	s8 =	sshll.u32 s26, $0x1;
	_ =	strace $0x80000046;
	[dreg:$0x1] =	wrdreg $0xFFFFFFFF  }
0xaa: {  	s28 =	simm.s32 $_size_execute0_lowered;
	s6 =	sadd.s32 s6, s8;
	[dreg:$0x0] =	wrdreg $0x0  }
0xab: {  	s8 =	sshll.u32 s28, $0x1;
	[dreg:$0x2] =	wrdreg s6  }
0xac: {  	[dreg:$0x3] =	wrdreg s8  }
0xad: {  	[dreg:$0x4] =	wrdreg $0xC0  }
0xae: {  	_ =	task [dreg:s10], $0x5FFFF  }
0xaf: {  	[dreg:$0x1] =	wrdreg $0xFFFFFFFF  }
0xb0: {  	[dreg:$0x0] =	wrdreg $0x60  }
0xb1: {  	[dreg:$0x2] =	wrdreg s2  }
0xb2: {  	[dreg:$0x3] =	wrdreg s18  }
0xb3: {  	[dreg:$0x4] =	wrdreg s4  }
0xb4: {  	[dreg:$0x5] =	wrdreg s5  }
0xb5: {  	[dreg:$0x6] =	wrdreg s24  }
0xb6: {  	[dreg:$0x7] =	wrdreg $0x0  }
0xb7: {  	[dreg:$0x8] =	wrdreg $0x9  }
0xb8: {  	_ =	task.clear_ibuf [dreg:s10], $0x9FFFF;
	_ =	strace $0x90000046  }
0xb9: {  	s29 =	simm.s32 $0x9;
	_ =	strace $0x80000048  }
0xba: {  	_ =	swait.ge [sflag:s29], $0x1  }
0xbb: {  	[sflag:s29] =	ssyncadd.s32 $0xFFFFFFFF  }
0xbc: {  	_ =	strace $0x90000048  }
0xbd: {  	_ =	sfence  }
0xbe: {  	s30 =	sld [smem:$0x0];
	_ =	sdelay $0x2  }
0xbf: {  	s31 =	sshll.u32 s1, $0xD;
	s1 =	sshrl.u32 s1, $0x2  }
0xc0: {  	s3 =	sand.u32 $0x4000, s31;
	s1 =	sadd.s32 s1, s30  }
0xc1: {  	s0 =	sor.u32 s3, s0;
	s1 =	sshll.u32 s1, $0x11  }
0xc2: {  	s0 =	sor.u32 s1, s0  }
0xc3: {  	s0 =	sadd.s32 $0x8F2B, s0  }
0xc4: {  	[sflag:s0] =	ssyncadd.remote.s32 $0x1  }
0xc5: {  	_ =	sfence.sel $0xFFFF  }
0xc6: {  	[dreg:$0x0] =	wrdreg $0xFFFFFFFF;
	(pc) =	sbr.abs _section_cstart, $3  }
0xc7: {  	[dreg:$0x1] =	wrdreg $0xFFFFFFFF  }
0xc8: {  	_ =	task.clear_ibuf [dreg:s10], $0x2FFFF;
	_ =	strace $0x9FFFFFFF  }
0xc9: {  	(tm) =	ssettm $0x7FFFFFFF  }
tec
execute0_lowered:
.L_overlay_start_1:
0x0: {  	(tag) =	ssettag $0x1  }
0x1: {  	s1 =	rddreg [dreg:$0x0]  }
0x2: {  	s2 =	rddreg [dreg:$0x1]  }
0x3: {  	s3 =	rddreg [dreg:$0x2]  }
0x4: {  	s4 =	rddreg [dreg:$0x3]  }
0x5: {  	s0 =	rddreg [dreg:$0x4]  }
0x6: {  	s5 =	rddreg [dreg:$0x5];
	s7 =	simm.s32 $0x0;
	s6 =	srdreg.scid  }
0x7: {  	s12 =	stileid.u32;
	s28 =	simm.s32 $0x14180;
	s29 =	simm.s32 $0x80  }
0x8: {  	s30 =	simm.s32 $0x1;
	s31 =	simm.s32 $0x14100;
	[smem:$0x7FF] =	sst s7  }
0x9: {  	s6 =	sand.u32 $0x1, s6;
	s0 =	sadd.s32 $0x400, s0;
	s9 =	smul.u32 $0x50000, s12  }
0xa: {  	s14 =	smul.u32 $0x14000, s12;
	_ =	strace $0x80000047;
	s8 =	ssub.s32 $0x2, s6  }
0xb: {  	s11 =	sshll.u32 s6, $0x4;
	s6 =	smul.u32 $0x140000, s6;
	s10 =	sshrl.u32 s8, $0x1  }
0xc: {  	s21 =	sor.u32 s12, s11;
	s22 =	sshrl.u32 s9, $0x2;
	s16 =	sadd.s32 $0x4000, s14  }
0xd: {  	s17 =	sadd.s32 $0x8000, s14;
	s18 =	sadd.s32 $0xC000, s14;
	s20 =	sadd.s32 $0x10000, s14  }
0xe: {  	s15 =	ssub.s32 s8, s10;
	s8 =	sadd.s32 s22, s5;
	s9 =	smul.u32 $0x2710, s21  }
0xf: {  	s10 =	sadd.s32 s16, s5;
	s11 =	sadd.s32 s17, s5;
	s12 =	sadd.s32 s18, s5  }
0x10: {  	s13 =	sadd.s32 s20, s5;
	s14 =	sadd.s32 s14, s6;
	s16 =	sadd.s32 s6, s16  }
0x11: {  	s24 =	sadd.s32 s6, s17;
	s25 =	sadd.s32 s6, s18;
	s6 =	sadd.s32 s6, s20  }
0x12: {  	s14 =	sshrl.u32 s14, $0x3;
	s16 =	sshrl.u32 s16, $0x3;
	s26 =	sshrl.u32 s25, $0x3  }
0x13: {  	s6 =	sshrl.u32 s6, $0x3;
	s25 =	simm.s32 $0x14000;
	s19 =	sadd.s32 $0x2700, s9  }
0x14: {  	s14 =	sadd.s32 s0, s14;
	s23 =	sadd.s32 s0, s16;
	s20 =	sadd.s32 s0, s26  }
0x15: {  	s26 =	simm.s32 $0x14080;
	s21 =	sshrl.u32 s19, $0x3;
	[dreg:$0xa] =	wrdreg s14  }
0x16: {  	s19 =	sshrl.u32 s19, $0x1;
	[dreg:$0xb] =	wrdreg s23;
	s22 =	sadd.s32 s2, s21  }
0x17: {  	s14 =	sshrl.u32 s24, $0x3;
	s21 =	sadd.s32 s3, s21;
	[dreg:$0x7] =	wrdreg s22  }
0x18: {  	s23 =	simm.s32 $0x14380;
	s19 =	sadd.s32 s4, s19;
	[dreg:$0x8] =	wrdreg s21  }
0x19: {  	s24 =	simm.s32 $0x2;
	[dreg:$0x9] =	wrdreg s19;
	s19 =	sadd.s32 s0, s14  }
0x1a: {  	v0 =	vimm.f32 $0.0e+00;
	s21 =	sadd.s32 s0, s6;
	s22 =	smax.u32 s15, $0x1;
	s0 =	simm.s32 $0x10  }
.LBB2_1:
0x1b: {  	s6 =	simm.s32 $0x0;
	s14 =	simm.s32 $0x200  }
.LBB2_2:
0x1c: {  	p0 =	sne.s32 s14, $0xFE00;
	[tilespmem:s6+$0x143F0] =	vst v0  }
0x1d: {  	[tilespmem:s6+$0x14380] =	vst v0  }
0x1e: {  	[tilespmem:s6+$0x14390] =	vst v0  }
.Ltmp0:
0x1f: {  	[tilespmem:s6+$0x143A0] =	vst v0;
	(pc) =	sbr.rel @p0 .LBB2_2-.Ltmp0, $4  }
0x20: {  	[tilespmem:s6+$0x143B0] =	vst v0  }
0x21: {  	[tilespmem:s6+$0x143C0] =	vst v0  }
0x22: {  	[tilespmem:s6+$0x143D0] =	vst v0  }
0x23: {  	[tilespmem:s6+$0x143E0] =	vst v0;
	s6 =	sshra.s32 s14, $0x2;
	s14 =	sadd.s32 $0x200, s14  }
0x24: {  	[tilespmem:s6+$0x143F0] =	vst v0  }
0x25: {  	[tilespmem:s6+$0x14380] =	vst v0  }
0x26: {  	[tilespmem:s6+$0x14390] =	vst v0  }
0x27: {  	[tilespmem:s6+$0x143A0] =	vst v0  }
0x28: {  	[tilespmem:s6+$0x143B0] =	vst v0  }
0x29: {  	[tilespmem:s6+$0x143C0] =	vst v0  }
0x2a: {  	[tilespmem:s6+$0x143D0] =	vst v0  }
0x2b: {  	[tilespmem:s6+$0x143E0] =	vst v0  }
0x2c: {  	[spmem:s8] =	stream.linear.scatter [tilespmem:s23], [sflag:$0x2], $0x4000, $0x38;
	[tilespmem:$0x18380] =	vst v63  }
0x2d: {  	_ =	swait.ge [sflag:s24], $0x4000  }
0x2e: {  	[sflag:s24] =	ssyncset.done $0x0  }
0x2f: {  	[sflag:s24] =	ssyncadd.s32 $0xFFFFC000  }
0x30: {  	[spmem:s10] =	stream.linear.scatter [tilespmem:s23], [sflag:$0x2], $0x4000, $0x38;
	[tilespmem:$0x18380] =	vst v63  }
0x31: {  	_ =	swait.ge [sflag:s24], $0x4000  }
0x32: {  	[sflag:s24] =	ssyncset.done $0x0  }
0x33: {  	[sflag:s24] =	ssyncadd.s32 $0xFFFFC000  }
0x34: {  	[spmem:s11] =	stream.linear.scatter [tilespmem:s23], [sflag:$0x2], $0x4000, $0x38;
	[tilespmem:$0x18380] =	vst v63  }
0x35: {  	_ =	swait.ge [sflag:s24], $0x4000  }
0x36: {  	[sflag:s24] =	ssyncset.done $0x0  }
0x37: {  	[sflag:s24] =	ssyncadd.s32 $0xFFFFC000  }
0x38: {  	[spmem:s12] =	stream.linear.scatter [tilespmem:s23], [sflag:$0x2], $0x4000, $0x38;
	[tilespmem:$0x18380] =	vst v63  }
0x39: {  	_ =	swait.ge [sflag:s24], $0x4000  }
0x3a: {  	[sflag:s24] =	ssyncset.done $0x0  }
0x3b: {  	[sflag:s24] =	ssyncadd.s32 $0xFFFFC000  }
0x3c: {  	[spmem:s13] =	stream.linear.scatter [tilespmem:s23], [sflag:$0x2], $0x4000, $0x38;
	[tilespmem:$0x18380] =	vst v63  }
0x3d: {  	_ =	swait.ge [sflag:s24], $0x4000  }
0x3e: {  	[sflag:s24] =	ssyncset.done $0x0  }
0x3f: {  	[sflag:s24] =	ssyncadd.s32 $0xFFFFC000  }
0x40: {  	s6 =	simm.s32 $0x0;
	s14 =	simm.s32 $0x0;
	[bflag:$0x0] =	sbarrier.arrive $0xFFFF  }
.LBB2_4:
0x41: {  	s15 =	sshll.u32 s14, $0x7  }
0x42: {  	s15 =	sadd.s32 s9, s15  }
0x43: {  	s16 =	sshrl.u32 s15, $0x3  }
0x44: {  	s17 =	sadd.s32 s2, s16  }
0x45: {  	[tilespmem:s25], [sflag:$0x2] =	stream.linear.gather [hbm4b:s17+s6], $0x80, $0x38;
	[tilespmem:$0x18380] =	vst v63  }
0x46: {  	_ =	swait.ge [sflag:s24], $0x80  }
0x47: {  	[sflag:s24] =	ssyncset.done $0x0  }
0x48: {  	s16 =	sadd.s32 s3, s16;
	[sflag:s24] =	ssyncadd.s32 $0xFFFFFF80  }
0x49: {  	[tilespmem:s26], [sflag:$0x2] =	stream.linear.gather [hbm4b:s16+s6], $0x80, $0x38;
	[tilespmem:$0x18380] =	vst v63  }
0x4a: {  	_ =	swait.ge [sflag:s24], $0x80  }
0x4b: {  	s15 =	sshrl.u32 s15, $0x1;
	[sflag:s24] =	ssyncset.done $0x0  }
0x4c: {  	s15 =	sadd.s32 s4, s15;
	[sflag:s24] =	ssyncadd.s32 $0xFFFFFF80  }
0x4d: {  	[tilespmem:s28], [sflag:$0x2] =	stream.linear.gather [hbm4b:s15+s6], $0x200, $0x38;
	[tilespmem:$0x18380] =	vst v63  }
0x4e: {  	_ =	swait.ge [sflag:s24], $0x200  }
0x4f: {  	[sflag:s24] =	ssyncset.done $0x0  }
0x50: {  	[sflag:s24] =	ssyncadd.s32 $0xFFFFFE00  }
0x51: {  	[tilespmem:s23], [sflag:$0x1] =	stream.indirect.gather [hbm4b:s1+s29], $0x80, s25, s29, $0xb8;
	[tilespmem:$0x18380] =	vst v63  }
0x52: {  	_ =	swait.ge [sflag:s30], $0x4000  }
0x53: {  	[sflag:s30] =	ssyncset.done $0x0  }
0x54: {  	s15 =	simm.s32 $0x14480;
	[sflag:s30] =	ssyncadd.s32 $0xFFFFC000  }
0x55: {  	v6 =	vld [tilespmem:s15+$0xFFFFFFA0]  }
0x56: {  	v4 =	vld [tilespmem:s15+$0xFFFFFFF0]  }
0x57: {  	v1 =	vld [tilespmem:s15+$0xFFFFFF60]  }
0x58: {  	v7 =	vld [tilespmem:s15+$0xFFFFFFD0]  }
0x59: {  	v8 =	vld [tilespmem:s15+$0x80]  }
0x5a: {  	v11 =	vld [tilespmem:s15+$0xFFFFFF10]  }
0x5b: {  	v15 =	vld [tilespmem:s15+$0xE0]  }
0x5c: {  	v10 =	vld [tilespmem:s15+$0xFFFFFF40]  }
0x5d: {  	s18 =	simm.s32 $0x0;
	v2 =	vld [tilespmem:s15+$0xFFFFFF90]  }
0x5e: {  	v3 =	vld [tilespmem:s18+$0x14180]  }
0x5f: {  	v9 =	vld [tilespmem:s15+$0xFFFFFFC0]  }
0x60: {  	v12 =	vld [tilespmem:s15+$0xFFFFFF00]  }
0x61: {  	v13 =	vld [tilespmem:s15+$0xD0]  }
0x62: {  	v22 =	vld [tilespmem:s15+$0xC0]  }
0x63: {  	v20 =	vld [tilespmem:s15+$0x90];
	v18 =	vbroadcast v3, $0x0;
	v5 =	vbroadcast v3, $0xF  }
0x64: {  	v21 =	vld [tilespmem:s15+$0xFFFFFF50];
	v19 =	vbroadcast v3, $0x2;
	v17 =	vbroadcast v3, $0xE  }
0x65: {  	v16 =	vld [tilespmem:s15+$0xB0];
	v14 =	vbroadcast v3, $0xC;
	v24 =	vmul.f32 v18, v12  }
0x66: {  	s17 =	simm.s32 $0x14480;
	s16 =	simm.s32 $0x40;
	v12 =	vbroadcast v3, $0xD;
	v23 =	vmul.f32 v10, v19;
	v10 =	vld [tilespmem:s15+$0x60]  }
.LBB2_5:
0x67: {  	p0 =	sne.s32 s16, $0x7C0  }
0x68: {  	[tilespmem:s15+$0xFFFFFF00] =	vst v24;
	v24 =	vld [tilespmem:s15+$0xFFFFFFB0];
	v22 =	vmul.f32 v22, v17;
	v15 =	vmul.f32 v15, v5;
	s17 =	sadd.s32 $0x200, s17;
	s18 =	smov.u32 s16;
	s16 =	sadd.s32 $0x40, s16  }
0x69: {  	[tilespmem:s15+$0xFFFFFF40] =	vst v23;
	v23 =	vbroadcast v3, $0xA;
	v20 =	vmul.f32 v20, v14;
	v25 =	vld [tilespmem:s15+$0xA0]  }
0x6a: {  	v11 =	vmul.f32 v11, v18;
	v18 =	vmul.f32 v21, v19;
	v19 =	vld [tilespmem:s15+$0x70];
	[tilespmem:s15+$0xE0] =	vst v15  }
0x6b: {  	v15 =	vbroadcast v3, $0x5;
	v21 =	vld [tilespmem:s15+$0xFFFFFFE0];
	v16 =	vmul.f32 v16, v12;
	[tilespmem:s15+$0xC0] =	vst v22  }
0x6c: {  	v13 =	vmul.f32 v13, v17;
	[tilespmem:s15+$0xFFFFFF10] =	vst v11;
	v11 =	vbroadcast v3, $0x6;
	v22 =	vld [tilespmem:s15+$0x40]  }
0x6d: {  	v26 =	vbroadcast v3, $0xB;
	v6 =	vmul.f32 v6, v15;
	v17 =	vld [tilespmem:s15+$0xFFFFFF20];
	[tilespmem:s15+$0x90] =	vst v20  }
0x6e: {  	v20 =	vbroadcast v3, $0x9;
	[tilespmem:s15+$0xFFFFFF50] =	vst v18;
	v18 =	vld [tilespmem:s15+$0x20];
	v12 =	vmul.f32 v25, v12  }
0x6f: {  	v15 =	vmul.f32 v24, v15;
	v24 =	vld [tilespmem:s15+$0x50];
	v19 =	vmul.f32 v19, v26;
	[tilespmem:s15+$0xD0] =	vst v13  }
0x70: {  	v8 =	vmul.f32 v8, v14;
	v13 =	vbroadcast v3, $0x7;
	v25 =	vld [tilespmem:s15+$0x30];
	[tilespmem:s15+$0xA0] =	vst v12  }
0x71: {  	v9 =	vmul.f32 v9, v11;
	v12 =	vbroadcast v3, $0x3;
	v14 =	vld [tilespmem:s15+$0x0];
	[tilespmem:s15+$0x70] =	vst v19  }
0x72: {  	v10 =	vmul.f32 v10, v26;
	v7 =	vmul.f32 v7, v11;
	v11 =	vld [tilespmem:s15+$0x10];
	[tilespmem:s15+$0x80] =	vst v8  }
0x73: {  	v19 =	vbroadcast v3, $0x8;
	v22 =	vmul.f32 v22, v23;
	v8 =	vld [tilespmem:s15+$0xFFFFFF30];
	[tilespmem:s15+$0xB0] =	vst v16  }
0x74: {  	v16 =	vbroadcast v3, $0x1;
	v26 =	vld [tilespmem:s15+$0xFFFFFF70];
	[tilespmem:s15+$0xFFFFFFD0] =	vst v7;
	v23 =	vmul.f32 v24, v23  }
0x75: {  	v4 =	vmul.f32 v4, v13;
	v7 =	vmul.f32 v21, v13;
	[tilespmem:s15+$0xFFFFFFC0] =	vst v9;
	v9 =	vld [tilespmem:s15+$0xF0]  }
0x76: {  	v21 =	vmul.f32 v25, v20;
	v13 =	vld [tilespmem:s15+$0xFFFFFF80];
	[tilespmem:s15+$0xFFFFFFA0] =	vst v6;
	v14 =	vmul.f32 v14, v19  }
0x77: {  	v6 =	vld [tilespmem:s17+$0xFFFFFFA0];
	[tilespmem:s15+$0xFFFFFFF0] =	vst v4;
	v19 =	vmul.f32 v11, v19;
	v11 =	vmul.f32 v18, v20  }
0x78: {  	v4 =	vmul.f32 v17, v16;
	v16 =	vmul.f32 v8, v16;
	[tilespmem:s15+$0x60] =	vst v10  }
0x79: {  	v1 =	vmul.f32 v1, v12;
	v8 =	vmul.f32 v26, v12;
	[tilespmem:s15+$0xFFFFFFB0] =	vst v15  }
0x7a: {  	v3 =	vbroadcast v3, $0x4;
	[tilespmem:s15+$0xFFFFFF20] =	vst v4;
	v4 =	vmul.f32 v9, v5  }
0x7b: {  	[tilespmem:s15+$0xFFFFFF60] =	vst v1  }
0x7c: {  	v5 =	vmul.f32 v13, v3;
	v1 =	vmul.f32 v2, v3;
	[tilespmem:s15+$0x40] =	vst v22  }
0x7d: {  	[tilespmem:s15+$0xFFFFFFE0] =	vst v7  }
0x7e: {  	[tilespmem:s15+$0xF0] =	vst v4  }
0x7f: {  	[tilespmem:s15+$0xFFFFFF90] =	vst v1  }
0x80: {  	v4 =	vld [tilespmem:s17+$0xFFFFFFF0];
	[tilespmem:s15+$0xFFFFFF70] =	vst v8  }
0x81: {  	v1 =	vld [tilespmem:s17+$0xFFFFFF60];
	[tilespmem:s15+$0x20] =	vst v11  }
0x82: {  	v7 =	vld [tilespmem:s17+$0xFFFFFFD0];
	[tilespmem:s15+$0x30] =	vst v21  }
0x83: {  	v8 =	vld [tilespmem:s17+$0x80];
	[tilespmem:s15+$0xFFFFFF80] =	vst v5  }
0x84: {  	v11 =	vld [tilespmem:s17+$0xFFFFFF10];
	[tilespmem:s15+$0x50] =	vst v23  }
0x85: {  	v15 =	vld [tilespmem:s17+$0xE0];
	[tilespmem:s15+$0x0] =	vst v14  }
0x86: {  	v10 =	vld [tilespmem:s17+$0xFFFFFF40];
	[tilespmem:s15+$0xFFFFFF30] =	vst v16  }
0x87: {  	s18 =	sshra.s32 s18, $0x2;
	v2 =	vld [tilespmem:s17+$0xFFFFFF90];
	[tilespmem:s15+$0x10] =	vst v19;
	s15 =	smov.u32 s17  }
0x88: {  	v3 =	vld [tilespmem:s18+$0x14180]  }
0x89: {  	v9 =	vld [tilespmem:s17+$0xFFFFFFC0]  }
0x8a: {  	v12 =	vld [tilespmem:s17+$0xFFFFFF00]  }
0x8b: {  	v13 =	vld [tilespmem:s17+$0xD0]  }
.Ltmp1:
0x8c: {  	v22 =	vld [tilespmem:s17+$0xC0];
	(pc) =	sbr.rel @p0 .LBB2_5-.Ltmp1, $4  }
0x8d: {  	v18 =	vbroadcast v3, $0x0;
	v20 =	vld [tilespmem:s17+$0x90];
	v5 =	vbroadcast v3, $0xF  }
0x8e: {  	v19 =	vbroadcast v3, $0x2;
	v17 =	vbroadcast v3, $0xE;
	v21 =	vld [tilespmem:s17+$0xFFFFFF50]  }
0x8f: {  	v24 =	vmul.f32 v18, v12;
	v12 =	vbroadcast v3, $0xD;
	v16 =	vld [tilespmem:s17+$0xB0]  }
0x90: {  	v14 =	vbroadcast v3, $0xC;
	v23 =	vmul.f32 v10, v19;
	v10 =	vld [tilespmem:s17+$0x60]  }
0x91: {  	[tilespmem:s15+$0xFFFFFF00] =	vst v24;
	v15 =	vmul.f32 v15, v5  }
0x92: {  	v22 =	vmul.f32 v22, v17;
	[tilespmem:s15+$0xFFFFFF40] =	vst v23  }
0x93: {  	v11 =	vmul.f32 v11, v18;
	[tilespmem:s15+$0xE0] =	vst v15  }
0x94: {  	v35 =	vmul.f32 v13, v17;
	[tilespmem:s15+$0xC0] =	vst v22  }
0x95: {  	v33 =	vmul.f32 v20, v14;
	[tilespmem:s15+$0xFFFFFF10] =	vst v11  }
0x96: {  	v41 =	vbroadcast v3, $0x6;
	v8 =	vmul.f32 v8, v14;
	[tilespmem:s15+$0xD0] =	vst v35  }
0x97: {  	v19 =	vmul.f32 v21, v19;
	[tilespmem:s15+$0x90] =	vst v33  }
0x98: {  	v45 =	vbroadcast v3, $0x5;
	v7 =	vmul.f32 v7, v41;
	[tilespmem:s15+$0x80] =	vst v8  }
0x99: {  	v47 =	vbroadcast v3, $0x7;
	v9 =	vmul.f32 v9, v41;
	[tilespmem:s15+$0xFFFFFF50] =	vst v19  }
0x9a: {  	v54 =	vbroadcast v3, $0x3;
	v6 =	vmul.f32 v6, v45;
	[tilespmem:s15+$0xFFFFFFD0] =	vst v7  }
0x9b: {  	v31 =	vld [tilespmem:s15+$0xA0];
	v59 =	vbroadcast v3, $0x4;
	v4 =	vmul.f32 v4, v47;
	[tilespmem:s15+$0xFFFFFFC0] =	vst v9  }
0x9c: {  	v32 =	vld [tilespmem:s15+$0x70];
	v1 =	vmul.f32 v1, v54;
	[tilespmem:s15+$0xFFFFFFA0] =	vst v6  }
0x9d: {  	v34 =	vld [tilespmem:s15+$0xFFFFFFB0];
	v37 =	vbroadcast v3, $0xB;
	v2 =	vmul.f32 v2, v59;
	[tilespmem:s15+$0xFFFFFFF0] =	vst v4  }
0x9e: {  	v36 =	vld [tilespmem:s15+$0xFFFFFF20];
	v43 =	vmul.f32 v16, v12;
	[tilespmem:s15+$0xFFFFFF60] =	vst v1  }
0x9f: {  	v40 =	vld [tilespmem:s15+$0x40];
	v10 =	vmul.f32 v10, v37;
	[tilespmem:s15+$0xFFFFFF90] =	vst v2  }
0xa0: {  	v38 =	vld [tilespmem:s15+$0xFFFFFFE0];
	v39 =	vmul.f32 v31, v12;
	[tilespmem:s15+$0xB0] =	vst v43  }
0xa1: {  	v52 =	vbroadcast v3, $0x1;
	v55 =	vld [tilespmem:s15+$0xF0];
	v18 =	vmul.f32 v32, v37;
	[tilespmem:s15+$0x60] =	vst v10  }
0xa2: {  	v49 =	vld [tilespmem:s15+$0xFFFFFF70];
	v56 =	vbroadcast v3, $0xA;
	v53 =	vmul.f32 v34, v45;
	[tilespmem:s15+$0xA0] =	vst v39  }
0xa3: {  	v46 =	vld [tilespmem:s15+$0x30];
	v13 =	vmul.f32 v36, v52;
	[tilespmem:s15+$0x70] =	vst v18  }
0xa4: {  	v50 =	vld [tilespmem:s15+$0xFFFFFF80];
	v58 =	vmul.f32 v40, v56;
	[tilespmem:s15+$0xFFFFFFB0] =	vst v53  }
0xa5: {  	v44 =	vld [tilespmem:s15+$0x20];
	v8 =	vmul.f32 v38, v47;
	[tilespmem:s15+$0xFFFFFF20] =	vst v13  }
0xa6: {  	v57 =	vld [tilespmem:s15+$0xFFFFFF30];
	v60 =	vbroadcast v3, $0x9;
	v1 =	vmul.f32 v55, v5;
	[tilespmem:s15+$0x40] =	vst v58  }
0xa7: {  	v42 =	vld [tilespmem:s15+$0x50];
	v61 =	vmul.f32 v49, v54;
	[tilespmem:s15+$0xFFFFFFE0] =	vst v8  }
0xa8: {  	v48 =	vld [tilespmem:s15+$0x0];
	v2 =	vmul.f32 v46, v60;
	[tilespmem:s15+$0xF0] =	vst v1  }
0xa9: {  	v51 =	vld [tilespmem:s15+$0x10];
	v62 =	vmul.f32 v50, v59;
	[tilespmem:s15+$0xFFFFFF70] =	vst v61  }
0xaa: {  	v1 =	vmul.f32 v44, v60;
	[tilespmem:s15+$0x30] =	vst v2  }
0xab: {  	v3 =	vbroadcast v3, $0x8;
	v63 =	vmul.f32 v57, v52;
	[tilespmem:s15+$0xFFFFFF80] =	vst v62  }
0xac: {  	[tilespmem:s15+$0x20] =	vst v1;
	v1 =	vmul.f32 v42, v56  }
0xad: {  	v2 =	vmul.f32 v48, v3;
	[tilespmem:s15+$0xFFFFFF30] =	vst v63  }
0xae: {  	s14 =	sadd.s32 $0x1, s14;
	[tilespmem:s15+$0x50] =	vst v1;
	v1 =	vmul.f32 v51, v3  }
0xaf: {  	p0 =	sne.s32 s14, $0x4E;
	[tilespmem:s15+$0x0] =	vst v2  }
.Ltmp2:
0xb0: {  	[tilespmem:s15+$0x10] =	vst v1;
	(pc) =	sbr.rel @p0 .LBB2_4-.Ltmp2, $4  }
0xb1: {  	[spmem:s5] =	stream.indirect.scatter.add.f32 [tilespmem:s23], [sflag:$0x2], $0x80, s26, s29, $0xb8;
	[tilespmem:$0x18380] =	vst v63  }
0xb2: {  	_ =	swait.ge [sflag:s24], $0x4000  }
0xb3: {  	[sflag:s24] =	ssyncset.done $0x0  }
0xb4: {  	[sflag:s24] =	ssyncadd.s32 $0xFFFFC000  }
0xb5: {  	s6 =	simm.s32 $0x0;
	s14 =	rddreg [dreg:$0x7]  }
0xb6: {  	[tilespmem:s25], [sflag:$0x2] =	stream.linear.gather [hbm4b:s14+s6], $0x10, $0x38;
	[tilespmem:$0x18380] =	vst v63  }
0xb7: {  	_ =	swait.ge [sflag:s24], $0x10  }
0xb8: {  	[sflag:s24] =	ssyncset.done $0x0  }
0xb9: {  	s16 =	rddreg [dreg:$0x8];
	[sflag:s24] =	ssyncadd.s32 $0xFFFFFFF0  }
0xba: {  	[tilespmem:s31], [sflag:$0x2] =	stream.linear.gather [hbm4b:s16+s6], $0x10, $0x38;
	[tilespmem:$0x18380] =	vst v63  }
0xbb: {  	_ =	swait.ge [sflag:s24], $0x10  }
0xbc: {  	[sflag:s24] =	ssyncset.done $0x0  }
0xbd: {  	s17 =	rddreg [dreg:$0x9];
	[sflag:s24] =	ssyncadd.s32 $0xFFFFFFF0  }
0xbe: {  	[tilespmem:s28], [sflag:$0x2] =	stream.linear.gather [hbm4b:s17+s6], $0x40, $0x38;
	[tilespmem:$0x18380] =	vst v63  }
0xbf: {  	_ =	swait.ge [sflag:s24], $0x40  }
0xc0: {  	[sflag:s24] =	ssyncset.done $0x0  }
0xc1: {  	[sflag:s24] =	ssyncadd.s32 $0xFFFFFFC0  }
0xc2: {  	[tilespmem:s23], [sflag:$0x1] =	stream.indirect.gather [hbm4b:s1+s0], $0x80, s25, s0, $0xb8;
	[tilespmem:$0x18380] =	vst v63  }
0xc3: {  	_ =	swait.ge [sflag:s30], $0x800  }
0xc4: {  	[sflag:s30] =	ssyncset.done $0x0  }
0xc5: {  	s6 =	simm.s32 $0x14480;
	[sflag:s30] =	ssyncadd.s32 $0xFFFFF800  }
0xc6: {  	v6 =	vld [tilespmem:s6+$0xFFFFFFA0]  }
0xc7: {  	v4 =	vld [tilespmem:s6+$0xFFFFFFF0]  }
0xc8: {  	v1 =	vld [tilespmem:s6+$0xFFFFFF60]  }
0xc9: {  	v7 =	vld [tilespmem:s6+$0xFFFFFFD0]  }
0xca: {  	v8 =	vld [tilespmem:s6+$0x80]  }
0xcb: {  	v11 =	vld [tilespmem:s6+$0xFFFFFF10]  }
0xcc: {  	v15 =	vld [tilespmem:s6+$0xE0]  }
0xcd: {  	v10 =	vld [tilespmem:s6+$0xFFFFFF40]  }
0xce: {  	s18 =	simm.s32 $0x0;
	v2 =	vld [tilespmem:s6+$0xFFFFFF90]  }
0xcf: {  	v3 =	vld [tilespmem:s18+$0x14180]  }
0xd0: {  	v9 =	vld [tilespmem:s6+$0xFFFFFFC0]  }
0xd1: {  	v12 =	vld [tilespmem:s6+$0xFFFFFF00]  }
0xd2: {  	v13 =	vld [tilespmem:s6+$0xD0]  }
0xd3: {  	v22 =	vld [tilespmem:s6+$0xC0]  }
0xd4: {  	v20 =	vld [tilespmem:s6+$0x90];
	v18 =	vbroadcast v3, $0x0;
	v5 =	vbroadcast v3, $0xF  }
0xd5: {  	v21 =	vld [tilespmem:s6+$0xFFFFFF50];
	v19 =	vbroadcast v3, $0x2;
	v17 =	vbroadcast v3, $0xE  }
0xd6: {  	v16 =	vld [tilespmem:s6+$0xB0];
	v14 =	vbroadcast v3, $0xC;
	v24 =	vmul.f32 v18, v12  }
0xd7: {  	s15 =	simm.s32 $0x14480;
	s14 =	simm.s32 $0x40;
	v12 =	vbroadcast v3, $0xD;
	v23 =	vmul.f32 v10, v19;
	v10 =	vld [tilespmem:s6+$0x60]  }
.LBB2_8:
0xd8: {  	p0 =	sne.s32 s14, $0xC0  }
0xd9: {  	[tilespmem:s6+$0xFFFFFF00] =	vst v24;
	v24 =	vld [tilespmem:s6+$0xFFFFFFB0];
	v22 =	vmul.f32 v22, v17;
	v15 =	vmul.f32 v15, v5;
	s15 =	sadd.s32 $0x200, s15;
	s16 =	smov.u32 s14;
	s14 =	sadd.s32 $0x40, s14  }
0xda: {  	[tilespmem:s6+$0xFFFFFF40] =	vst v23;
	v23 =	vbroadcast v3, $0xA;
	v20 =	vmul.f32 v20, v14;
	v25 =	vld [tilespmem:s6+$0xA0]  }
0xdb: {  	v11 =	vmul.f32 v11, v18;
	v18 =	vmul.f32 v21, v19;
	v19 =	vld [tilespmem:s6+$0x70];
	[tilespmem:s6+$0xE0] =	vst v15  }
0xdc: {  	v15 =	vbroadcast v3, $0x5;
	v21 =	vld [tilespmem:s6+$0xFFFFFFE0];
	v16 =	vmul.f32 v16, v12;
	[tilespmem:s6+$0xC0] =	vst v22  }
0xdd: {  	v13 =	vmul.f32 v13, v17;
	[tilespmem:s6+$0xFFFFFF10] =	vst v11;
	v11 =	vbroadcast v3, $0x6;
	v22 =	vld [tilespmem:s6+$0x40]  }
0xde: {  	v26 =	vbroadcast v3, $0xB;
	v6 =	vmul.f32 v6, v15;
	v17 =	vld [tilespmem:s6+$0xFFFFFF20];
	[tilespmem:s6+$0x90] =	vst v20  }
0xdf: {  	v20 =	vbroadcast v3, $0x9;
	[tilespmem:s6+$0xFFFFFF50] =	vst v18;
	v18 =	vld [tilespmem:s6+$0x20];
	v12 =	vmul.f32 v25, v12  }
0xe0: {  	v15 =	vmul.f32 v24, v15;
	v24 =	vld [tilespmem:s6+$0x50];
	v19 =	vmul.f32 v19, v26;
	[tilespmem:s6+$0xD0] =	vst v13  }
0xe1: {  	v8 =	vmul.f32 v8, v14;
	v13 =	vbroadcast v3, $0x7;
	v25 =	vld [tilespmem:s6+$0x30];
	[tilespmem:s6+$0xA0] =	vst v12  }
0xe2: {  	v9 =	vmul.f32 v9, v11;
	v12 =	vbroadcast v3, $0x3;
	v14 =	vld [tilespmem:s6+$0x0];
	[tilespmem:s6+$0x70] =	vst v19  }
0xe3: {  	v10 =	vmul.f32 v10, v26;
	v7 =	vmul.f32 v7, v11;
	v11 =	vld [tilespmem:s6+$0x10];
	[tilespmem:s6+$0x80] =	vst v8  }
0xe4: {  	v19 =	vbroadcast v3, $0x8;
	v22 =	vmul.f32 v22, v23;
	v8 =	vld [tilespmem:s6+$0xFFFFFF30];
	[tilespmem:s6+$0xB0] =	vst v16  }
0xe5: {  	v16 =	vbroadcast v3, $0x1;
	v26 =	vld [tilespmem:s6+$0xFFFFFF70];
	[tilespmem:s6+$0xFFFFFFD0] =	vst v7;
	v23 =	vmul.f32 v24, v23  }
0xe6: {  	v4 =	vmul.f32 v4, v13;
	v7 =	vmul.f32 v21, v13;
	[tilespmem:s6+$0xFFFFFFC0] =	vst v9;
	v9 =	vld [tilespmem:s6+$0xF0]  }
0xe7: {  	v21 =	vmul.f32 v25, v20;
	v13 =	vld [tilespmem:s6+$0xFFFFFF80];
	[tilespmem:s6+$0xFFFFFFA0] =	vst v6;
	v14 =	vmul.f32 v14, v19  }
0xe8: {  	v6 =	vld [tilespmem:s15+$0xFFFFFFA0];
	[tilespmem:s6+$0xFFFFFFF0] =	vst v4;
	v19 =	vmul.f32 v11, v19;
	v11 =	vmul.f32 v18, v20  }
0xe9: {  	v4 =	vmul.f32 v17, v16;
	v16 =	vmul.f32 v8, v16;
	[tilespmem:s6+$0x60] =	vst v10  }
0xea: {  	v1 =	vmul.f32 v1, v12;
	v8 =	vmul.f32 v26, v12;
	[tilespmem:s6+$0xFFFFFFB0] =	vst v15  }
0xeb: {  	v3 =	vbroadcast v3, $0x4;
	[tilespmem:s6+$0xFFFFFF20] =	vst v4;
	v4 =	vmul.f32 v9, v5  }
0xec: {  	[tilespmem:s6+$0xFFFFFF60] =	vst v1  }
0xed: {  	v5 =	vmul.f32 v13, v3;
	v1 =	vmul.f32 v2, v3;
	[tilespmem:s6+$0x40] =	vst v22  }
0xee: {  	[tilespmem:s6+$0xFFFFFFE0] =	vst v7  }
0xef: {  	[tilespmem:s6+$0xF0] =	vst v4  }
0xf0: {  	[tilespmem:s6+$0xFFFFFF90] =	vst v1  }
0xf1: {  	v4 =	vld [tilespmem:s15+$0xFFFFFFF0];
	[tilespmem:s6+$0xFFFFFF70] =	vst v8  }
0xf2: {  	v1 =	vld [tilespmem:s15+$0xFFFFFF60];
	[tilespmem:s6+$0x20] =	vst v11  }
0xf3: {  	v7 =	vld [tilespmem:s15+$0xFFFFFFD0];
	[tilespmem:s6+$0x30] =	vst v21  }
0xf4: {  	v8 =	vld [tilespmem:s15+$0x80];
	[tilespmem:s6+$0xFFFFFF80] =	vst v5  }
0xf5: {  	v11 =	vld [tilespmem:s15+$0xFFFFFF10];
	[tilespmem:s6+$0x50] =	vst v23  }
0xf6: {  	v15 =	vld [tilespmem:s15+$0xE0];
	[tilespmem:s6+$0x0] =	vst v14  }
0xf7: {  	v10 =	vld [tilespmem:s15+$0xFFFFFF40];
	[tilespmem:s6+$0xFFFFFF30] =	vst v16  }
0xf8: {  	s16 =	sshra.s32 s16, $0x2;
	v2 =	vld [tilespmem:s15+$0xFFFFFF90];
	[tilespmem:s6+$0x10] =	vst v19;
	s6 =	smov.u32 s15  }
0xf9: {  	v3 =	vld [tilespmem:s16+$0x14180]  }
0xfa: {  	v9 =	vld [tilespmem:s15+$0xFFFFFFC0]  }
0xfb: {  	v12 =	vld [tilespmem:s15+$0xFFFFFF00]  }
0xfc: {  	v13 =	vld [tilespmem:s15+$0xD0]  }
.Ltmp3:
0xfd: {  	v22 =	vld [tilespmem:s15+$0xC0];
	(pc) =	sbr.rel @p0 .LBB2_8-.Ltmp3, $4  }
0xfe: {  	v18 =	vbroadcast v3, $0x0;
	v20 =	vld [tilespmem:s15+$0x90];
	v5 =	vbroadcast v3, $0xF  }
0xff: {  	v19 =	vbroadcast v3, $0x2;
	v17 =	vbroadcast v3, $0xE;
	v21 =	vld [tilespmem:s15+$0xFFFFFF50]  }
0x100: {  	v24 =	vmul.f32 v18, v12;
	v12 =	vbroadcast v3, $0xD;
	v16 =	vld [tilespmem:s15+$0xB0]  }
0x101: {  	v14 =	vbroadcast v3, $0xC;
	v23 =	vmul.f32 v10, v19;
	v10 =	vld [tilespmem:s15+$0x60]  }
0x102: {  	[tilespmem:s6+$0xFFFFFF00] =	vst v24;
	v15 =	vmul.f32 v15, v5  }
0x103: {  	v22 =	vmul.f32 v22, v17;
	[tilespmem:s6+$0xFFFFFF40] =	vst v23  }
0x104: {  	v11 =	vmul.f32 v11, v18;
	[tilespmem:s6+$0xE0] =	vst v15  }
0x105: {  	v35 =	vmul.f32 v13, v17;
	[tilespmem:s6+$0xC0] =	vst v22  }
0x106: {  	v33 =	vmul.f32 v20, v14;
	[tilespmem:s6+$0xFFFFFF10] =	vst v11  }
0x107: {  	v41 =	vbroadcast v3, $0x6;
	v8 =	vmul.f32 v8, v14;
	[tilespmem:s6+$0xD0] =	vst v35  }
0x108: {  	v19 =	vmul.f32 v21, v19;
	[tilespmem:s6+$0x90] =	vst v33  }
0x109: {  	v45 =	vbroadcast v3, $0x5;
	v7 =	vmul.f32 v7, v41;
	[tilespmem:s6+$0x80] =	vst v8  }
0x10a: {  	v47 =	vbroadcast v3, $0x7;
	v9 =	vmul.f32 v9, v41;
	[tilespmem:s6+$0xFFFFFF50] =	vst v19  }
0x10b: {  	v54 =	vbroadcast v3, $0x3;
	v6 =	vmul.f32 v6, v45;
	[tilespmem:s6+$0xFFFFFFD0] =	vst v7  }
0x10c: {  	v31 =	vld [tilespmem:s6+$0xA0];
	v59 =	vbroadcast v3, $0x4;
	v4 =	vmul.f32 v4, v47;
	[tilespmem:s6+$0xFFFFFFC0] =	vst v9  }
0x10d: {  	v32 =	vld [tilespmem:s6+$0x70];
	v1 =	vmul.f32 v1, v54;
	[tilespmem:s6+$0xFFFFFFA0] =	vst v6  }
0x10e: {  	v34 =	vld [tilespmem:s6+$0xFFFFFFB0];
	v37 =	vbroadcast v3, $0xB;
	v2 =	vmul.f32 v2, v59;
	[tilespmem:s6+$0xFFFFFFF0] =	vst v4  }
0x10f: {  	v36 =	vld [tilespmem:s6+$0xFFFFFF20];
	v43 =	vmul.f32 v16, v12;
	[tilespmem:s6+$0xFFFFFF60] =	vst v1  }
0x110: {  	v40 =	vld [tilespmem:s6+$0x40];
	v10 =	vmul.f32 v10, v37;
	[tilespmem:s6+$0xFFFFFF90] =	vst v2  }
0x111: {  	v38 =	vld [tilespmem:s6+$0xFFFFFFE0];
	v39 =	vmul.f32 v31, v12;
	[tilespmem:s6+$0xB0] =	vst v43  }
0x112: {  	v52 =	vbroadcast v3, $0x1;
	v55 =	vld [tilespmem:s6+$0xF0];
	v18 =	vmul.f32 v32, v37;
	[tilespmem:s6+$0x60] =	vst v10  }
0x113: {  	v49 =	vld [tilespmem:s6+$0xFFFFFF70];
	v56 =	vbroadcast v3, $0xA;
	v53 =	vmul.f32 v34, v45;
	[tilespmem:s6+$0xA0] =	vst v39  }
0x114: {  	v46 =	vld [tilespmem:s6+$0x30];
	v13 =	vmul.f32 v36, v52;
	[tilespmem:s6+$0x70] =	vst v18  }
0x115: {  	v50 =	vld [tilespmem:s6+$0xFFFFFF80];
	v58 =	vmul.f32 v40, v56;
	[tilespmem:s6+$0xFFFFFFB0] =	vst v53  }
0x116: {  	v44 =	vld [tilespmem:s6+$0x20];
	v8 =	vmul.f32 v38, v47;
	[tilespmem:s6+$0xFFFFFF20] =	vst v13  }
0x117: {  	v57 =	vld [tilespmem:s6+$0xFFFFFF30];
	v60 =	vbroadcast v3, $0x9;
	v1 =	vmul.f32 v55, v5;
	[tilespmem:s6+$0x40] =	vst v58  }
0x118: {  	v42 =	vld [tilespmem:s6+$0x50];
	v61 =	vmul.f32 v49, v54;
	[tilespmem:s6+$0xFFFFFFE0] =	vst v8  }
0x119: {  	v48 =	vld [tilespmem:s6+$0x0];
	v2 =	vmul.f32 v46, v60;
	[tilespmem:s6+$0xF0] =	vst v1  }
0x11a: {  	v51 =	vld [tilespmem:s6+$0x10];
	v62 =	vmul.f32 v50, v59;
	[tilespmem:s6+$0xFFFFFF70] =	vst v61  }
0x11b: {  	v1 =	vmul.f32 v44, v60;
	[tilespmem:s6+$0x30] =	vst v2  }
0x11c: {  	v3 =	vbroadcast v3, $0x8;
	v63 =	vmul.f32 v57, v52;
	[tilespmem:s6+$0xFFFFFF80] =	vst v62  }
0x11d: {  	[tilespmem:s6+$0x20] =	vst v1;
	v1 =	vmul.f32 v42, v56  }
0x11e: {  	v2 =	vmul.f32 v48, v3;
	[tilespmem:s6+$0xFFFFFF30] =	vst v63  }
0x11f: {  	[tilespmem:s6+$0x50] =	vst v1;
	v1 =	vmul.f32 v51, v3  }
0x120: {  	[tilespmem:s6+$0x0] =	vst v2  }
0x121: {  	[tilespmem:s6+$0x10] =	vst v1  }
0x122: {  	[spmem:s5] =	stream.indirect.scatter.add.f32 [tilespmem:s23], [sflag:$0x2], $0x80, s31, s0, $0xb8;
	[tilespmem:$0x18380] =	vst v63  }
0x123: {  	_ =	swait.ge [sflag:s24], $0x800  }
0x124: {  	[sflag:s24] =	ssyncset.done $0x0  }
0x125: {  	s16 =	stileid.u32;
	[sflag:s24] =	ssyncadd.s32 $0xFFFFF800  }
0x126: {  	s6 =	sshll.u32 s16, $0x6;
	[bflag:$0x0] =	sbarrier.arrive $0xFFFF  }
0x127: {  	s14 =	sshrl.u32 s8, $0x3;
	s6 =	sor.u32 $0x1C02, s6;
	s15 =	rddreg [dreg:$0xa]  }
0x128: {  	[hbm:s15], [sflag:s6] =	dma.local [spmem:s14], $0x800  }
0x129: {  	_ =	swait.ge [sflag:s24], $0x800  }
0x12a: {  	[sflag:s24] =	ssyncset.done $0x0  }
0x12b: {  	s17 =	sshrl.u32 s10, $0x3;
	s18 =	rddreg [dreg:$0xb];
	[sflag:s24] =	ssyncadd.s32 $0xFFFFF800  }
0x12c: {  	[hbm:s18], [sflag:s6] =	dma.local [spmem:s17], $0x800  }
0x12d: {  	_ =	swait.ge [sflag:s24], $0x800  }
0x12e: {  	[sflag:s24] =	ssyncset.done $0x0  }
0x12f: {  	s16 =	sshrl.u32 s11, $0x3;
	[sflag:s24] =	ssyncadd.s32 $0xFFFFF800  }
0x130: {  	[hbm:s19], [sflag:s6] =	dma.local [spmem:s16], $0x800  }
0x131: {  	_ =	swait.ge [sflag:s24], $0x800  }
0x132: {  	[sflag:s24] =	ssyncset.done $0x0  }
0x133: {  	s17 =	sshrl.u32 s12, $0x3;
	[sflag:s24] =	ssyncadd.s32 $0xFFFFF800  }
0x134: {  	[hbm:s20], [sflag:s6] =	dma.local [spmem:s17], $0x800  }
0x135: {  	s7 =	sadd.s32 $0x1, s7;
	_ =	swait.ge [sflag:s24], $0x800  }
0x136: {  	p0 =	sne.s32 s7, s22;
	[sflag:s24] =	ssyncset.done $0x0  }
.Ltmp4:
0x137: {  	s18 =	sshrl.u32 s13, $0x3;
	[sflag:s24] =	ssyncadd.s32 $0xFFFFF800;
	(pc) =	sbr.rel @p0 .LBB2_1-.Ltmp4, $4  }
0x138: {  	[hbm:s21], [sflag:s6] =	dma.local [spmem:s18], $0x800  }
0x139: {  	_ =	swait.ge [sflag:s24], $0x800  }
0x13a: {  	[sflag:s24] =	ssyncset.done $0x0  }
0x13b: {  	[sflag:s24] =	ssyncadd.s32 $0xFFFFF800  }
0x13c: {  	_ =	sfence.sel $0x180000  }
0x13d: {  	[bflag:$0x0] =	sbarrier.arrive $0xFFFF  }
0x13e: {  	_ =	strace $0x90000047  }
0x13f: {  	s0 =	stileid.u32;
	[bflag:$0x2] =	sbarrier.arrive $0xFFFF  }
0x140: {  	p0 =	sne.s32 s0, $0x0;
	s0 =	rddreg [dreg:$0x6]  }
0x141: {  	s0 =	sadd.s32 @!p0 $0x100000, s0  }
0x142: {  	[sflag:s0] =	ssyncadd.tile.s32 @!p0 $0x1;
	_ =	shalt  }
.Lfunc_end2:
_tile_overlayer_lowered:
.L_overlay_start_2:
0x143: {  	(tag) =	ssettag $0x2  }
0x144: {  	s0 =	rddreg [dreg:$0x0];
	s2 =	stileid.u32  }
0x145: {  	s1 =	rddreg [dreg:$0x1];
	p0 =	sne.s32 s2, $0x0  }
0x146: {  	s3 =	rddreg [dreg:$0x2];
	[bflag:$0x3] =	sbarrier.arrive $0xFFFF;
	s2 =	simm.s32 @!p0 $0x1C02  }
0x147: {  	[timem:s3], [sflag:s2] =	dma.local @!p0 [hbm:s0], s1  }
0x148: {  	s0 =	simm.s32 @!p0 $0x2  }
0x149: {  	_ =	swait.ge @!p0 [sflag:s0], s1  }
0x14a: {  	s1 =	ssub.s32 @!p0 $0x0, s1;
	[sflag:s0] =	ssyncset.done @!p0 $0x0  }
0x14b: {  	[sflag:s0] =	ssyncadd.s32 @!p0 s1  }
0x14c: {  	[bflag:$0x3] =	sbarrier.arrive $0xFFFF  }
0x14d: {  	_ =	shalt  }

</sc_bundles>
